<compile_context>
chip_gen: v7x
topology: tpu7x:2x2x1
jax: 0.10.2.dev20260603
libtpu: 0.0.44.dev20260713+nightly
codegen_flags: <defaults>
</compile_context>

<pallas_src>
import functools

import jax
import jax.numpy as jnp
from jax import lax
from jax.experimental import pallas as pl
from jax.experimental.pallas import tpu as pltpu
from jax.experimental.pallas import tpu_sc as plsc

EMB = 64
NC = 2
NS = 16
NW = NC * NS
CHUNK = 512
VB = 16384
VB_SHIFT = VB.bit_length() - 2


def _tc_transpose_table(table):
    V = table.shape[0]
    K = VB // 2
    grid = (V + VB - 1) // VB

    def body(x_ref, y_ref):
        x = x_ref[...]
        xt_l = x[:, :K].T
        eye = (jax.lax.broadcasted_iota(jnp.int32, (EMB, EMB), 0)
               == jax.lax.broadcasted_iota(jnp.int32, (EMB, EMB), 1)
               ).astype(jnp.float32)
        xt_r = jax.lax.dot_general(
            x[:, K:], eye, (((0,), (0,)), ((), ())),
            preferred_element_type=jnp.float32,
        )
        y_ref[...] = jnp.concatenate([xt_l, xt_r], axis=1)

    return pl.pallas_call(
        body,
        grid=(grid,),
        in_specs=[pl.BlockSpec((EMB, VB), lambda j: (0, j))],
        out_specs=pl.BlockSpec((K, 2 * EMB), lambda j: (j, 0)),
        out_shape=jax.ShapeDtypeStruct((grid * K, 2 * EMB), jnp.float32),
    )(table.T)


def _sc_gather_pair(table, idx_a, idx_b):
    n = idx_a.shape[0]
    per_w = n // NW
    n_chunks = per_w // CHUNK
    assert per_w % CHUNK == 0 and per_w % 512 == 0 and n % NW == 0

    mesh = plsc.VectorSubcoreMesh(core_axis_name="c", subcore_axis_name="s")

    @functools.partial(
        pl.kernel,
        out_type=(
            jax.ShapeDtypeStruct((n, EMB), jnp.float32),
            jax.ShapeDtypeStruct((n, EMB), jnp.float32),
        ),
        mesh=mesh,
        scratch_types=[
            pltpu.VMEM((per_w,), jnp.int32),
            pltpu.VMEM((per_w,), jnp.int32),
            pltpu.VMEM((per_w,), jnp.int32),
            pltpu.VMEM((per_w,), jnp.int32),
            pltpu.VMEM((CHUNK, EMB), jnp.float32),
            pltpu.VMEM((CHUNK, EMB), jnp.float32),
            pltpu.SemaphoreType.DMA,
            pltpu.SemaphoreType.DMA,
        ],
        compiler_params=pltpu.CompilerParams(
            use_tc_tiling_on_sc=False, needs_layout_passes=False
        ),
    )
    def gather_kernel(idx_a_hbm, idx_b_hbm, table_hbm, out_a_hbm, out_b_hbm,
                      raw_a_v, raw_b_v, idx_a_v, idx_b_v, buf0, buf1,
                      sem0, sem1):
        wid = lax.axis_index("s") * NC + lax.axis_index("c")
        base = wid * per_w
        pltpu.sync_copy(idx_a_hbm.at[pl.ds(base, per_w)], raw_a_v)
        pltpu.sync_copy(idx_b_hbm.at[pl.ds(base, per_w)], raw_b_v)

        lane = lax.iota(jnp.int32, 16)

        def permute_remap(raw_v, idx_v):
            def body(k, _):
                p = k * 16 + lane
                q = p & 511
                src = (p - q) + ((q & 1) << 8) + (q >> 1)
                v = plsc.load_gather(raw_v, [src])
                r = v & (VB - 1)
                i = (v - r) + ((r & (VB // 2 - 1)) << 1) + (r >> VB_SHIFT)
                idx_v[pl.ds(k * 16, 16)] = i
                return ()

            lax.fori_loop(0, per_w // 16, body, (), unroll=False)

        permute_remap(raw_a_v, idx_a_v)
        permute_remap(raw_b_v, idx_b_v)

        def gather_start(idx_v, c, buf, sem):
            pltpu.async_copy(
                table_hbm.at[idx_v.at[pl.ds(c * CHUNK, CHUNK)]], buf, sem
            )

        def gather_wait(buf, sem):
            pltpu.make_async_copy(
                table_hbm.at[pl.ds(0, CHUNK)], buf, sem
            ).wait()

        def one_array(idx_v, out_hbm):
            last = n_chunks - 1
            gather_start(idx_v, 0, buf0, sem0)

            def body(h, _):
                c0 = h * 2
                c1 = c0 + 1
                c2 = jnp.minimum(c0 + 2, last)
                gather_wait(buf0, sem0)
                gather_start(idx_v, c1, buf1, sem1)
                pltpu.sync_copy(
                    buf0, out_hbm.at[pl.ds(base + c0 * CHUNK, CHUNK)]
                )
                gather_wait(buf1, sem1)
                gather_start(idx_v, c2, buf0, sem0)
                pltpu.sync_copy(
                    buf1, out_hbm.at[pl.ds(base + c1 * CHUNK, CHUNK)]
                )
                return ()

            lax.fori_loop(0, n_chunks // 2, body, (), unroll=False)
            gather_wait(buf0, sem0)
            pltpu.sync_copy(
                buf0, out_hbm.at[pl.ds(base + last * CHUNK, CHUNK)]
            )

        one_array(idx_a_v, out_a_hbm)
        one_array(idx_b_v, out_b_hbm)

    return gather_kernel(idx_a, idx_b, table)


def _tc_finalize(tmp_a, tmp_b, W, b, L, B):
    nb = B // 4096

    def body(ta_ref, tb_ref, w_ref, b_ref,
             ea1_ref, ea2_ref, eb1_ref, eb2_ref,
             pa1_ref, pa2_ref, pb1_ref, pb2_ref):
        w = w_ref[...]
        bc = b_ref[...]

        def one(t_ref, e1_ref, e2_ref, p1_ref, p2_ref):
            halves = []
            for g in range(8):
                xt = t_ref[0, g].T
                halves.append(xt[:EMB])
                halves.append(xt[EMB:])
            e = jnp.concatenate(halves, axis=1)
            e1_ref[0] = e
            e2_ref[0] = e
            p = jnp.dot(w, jnp.maximum(e, 0.0),
                        preferred_element_type=jnp.float32) + bc
            p1_ref[0] = p
            p2_ref[0] = p

        one(ta_ref, ea1_ref, ea2_ref, pa1_ref, pa2_ref)
        one(tb_ref, eb1_ref, eb2_ref, pb1_ref, pb2_ref)

    in_blk = pl.BlockSpec((1, 8, 256, 128), lambda l, j: (l, j, 0, 0))
    out_blk = pl.BlockSpec((1, EMB, 4096), lambda l, j: (l, 0, j))
    out_sh = jax.ShapeDtypeStruct((L, EMB, B), jnp.float32)
    return pl.pallas_call(
        body,
        grid=(L, nb),
        in_specs=[
            in_blk,
            in_blk,
            pl.BlockSpec((EMB, EMB), lambda l, j: (0, 0)),
            pl.BlockSpec((EMB, 1), lambda l, j: (0, 0)),
        ],
        out_specs=[out_blk] * 8,
        out_shape=(out_sh,) * 8,
    )(tmp_a, tmp_b, W, b)


def kernel(tensor_day, tensor_diagnoses, table, W, b):
    B, L = tensor_day.shape
    n = B * L
    idx_diag = tensor_diagnoses.T.reshape(n).astype(jnp.int32)
    idx_day = tensor_day.T.reshape(n).astype(jnp.int32)

    table2 = _tc_transpose_table(table)
    table_lin = table2.reshape(table2.shape[0] * 2, EMB)

    tmp_diag, tmp_day = _sc_gather_pair(table_lin, idx_diag, idx_day)
    tmp_diag = tmp_diag.reshape(L, B // 512, 256, 128)
    tmp_day = tmp_day.reshape(L, B // 512, 256, 128)

    (ed_x, ed_y, ey_x, ey_y, pd_x, pd_y, py_x, py_y) = _tc_finalize(
        tmp_diag, tmp_day, W, b.reshape(EMB, 1), L, B
    )

    def to_logical(x):
        return jnp.transpose(x, (2, 0, 1))

    return (
        (to_logical(ed_x), to_logical(ey_x)),
        (to_logical(pd_x), to_logical(py_x)),
        (to_logical(ed_y), to_logical(ey_y)),
        (to_logical(pd_y), to_logical(py_y)),
    )

# --- scband reference (transcript-rebuilt; emitter-appended) ---
"""Pipeline reference for scband-ehr-embedding-1864015806936 (READ-ONLY COPY).

The authoritative reference and input builder live on the scoring server;
editing this copy changes nothing except your own understanding.
"""

import jax, jax.numpy as jnp
import numpy as np

VOCAB = 1000000
EMB = 64
B = 4096
L = 20

def setup_inputs(seed: int = 0) -> dict:
    key = jax.random.key(seed)
    kd, kg, kt, kw, kb = jax.random.split(key, 5)
    tensor_day = jax.random.randint(kd, (B, L), 0, VOCAB, dtype=jnp.int64) if jax.config.jax_enable_x64 else jax.random.randint(kd, (B, L), 0, VOCAB).astype(jnp.int32)
    tensor_diagnoses = jax.random.randint(kg, (B, L), 0, VOCAB).astype(tensor_day.dtype)
    table = jax.random.normal(kt, (VOCAB, EMB), dtype=jnp.float32) * 0.02
    W = jax.random.normal(kw, (EMB, EMB), dtype=jnp.float32) * 0.02
    b = jnp.zeros((EMB,), dtype=jnp.float32)
    return {"tensor_day": tensor_day, "tensor_diagnoses": tensor_diagnoses, "table": table, "W": W, "b": b}

def reference(tensor_day, tensor_diagnoses, table, W, b):
    # squeeze(1) is a no-op here since dim 1 has size L > 1 (matches torch semantics)
    # dropout is identity in eval mode
    emb_diags_X = jnp.take(table, tensor_diagnoses, axis=0)
    emb_day_X = jnp.take(table, tensor_day, axis=0)
    proj_diags_X = jnp.maximum(emb_diags_X, 0.0) @ W.T + b
    proj_day_X = jnp.maximum(emb_day_X, 0.0) @ W.T + b
    # second pass (Y) is identical without dropout noise
    emb_diags_Y = jnp.take(table, tensor_diagnoses, axis=0)
    emb_day_Y = jnp.take(table, tensor_day, axis=0)
    proj_diags_Y = jnp.maximum(emb_diags_Y, 0.0) @ W.T + b
    proj_day_Y = jnp.maximum(emb_day_Y, 0.0) @ W.T + b
    return ((emb_diags_X, emb_day_X), (proj_diags_X, proj_day_X), (emb_diags_Y, emb_day_Y), (proj_diags_Y, proj_day_Y))

if __name__ == "__main__":
    import jax
    _d = setup_inputs()
    print(jax.jit(kernel)(*tuple(_d.values())))

</pallas_src>

<mosaic_0001>
#map = affine_map<(d0, d1) -> (0)>
#map1 = affine_map<(d0, d1) -> (0, 0)>
module attributes {stable_mosaic.version = 14 : i64} {
  func.func @gather_kernel(%arg0: i32, %arg1: i32, %arg2: memref<81920xi32, #tpu.memory_space<hbm>>, %arg3: memref<81920xi32, #tpu.memory_space<hbm>>, %arg4: memref<1015808x64xf32, #tpu.memory_space<hbm>>, %arg5: memref<81920x64xf32, #tpu.memory_space<hbm>>, %arg6: memref<81920x64xf32, #tpu.memory_space<hbm>>, %arg7: memref<2560xi32, #tpu.memory_space<vmem>>, %arg8: memref<2560xi32, #tpu.memory_space<vmem>>, %arg9: memref<2560xi32, #tpu.memory_space<vmem>>, %arg10: memref<2560xi32, #tpu.memory_space<vmem>>, %arg11: memref<512x64xf32, #tpu.memory_space<vmem>>, %arg12: memref<512x64xf32, #tpu.memory_space<vmem>>, %arg13: memref<!tpu.dma_semaphore, #tpu.memory_space<semaphore_mem>>, %arg14: memref<!tpu.dma_semaphore, #tpu.memory_space<semaphore_mem>>) attributes {dimension_semantics = [#tpu.dimension_semantics<core_parallel>, #tpu.dimension_semantics<subcore_parallel>], iteration_bounds = array<i64: 2, 16>, scalar_prefetch = 0 : i64, scratch_operands = 8 : i64, tpu.core_type = #tpu.core_type<sc_vector_subcore>, window_params = [{transform_indices = #map}, {transform_indices = #map}, {transform_indices = #map1}, {transform_indices = #map1}, {transform_indices = #map1}]} {
    %mul3A = arith.constant 2 : i32
    %mul3A_0 = arith.muli %arg1, %mul3A : i32
    %add3A = arith.addi %mul3A_0, %arg0 : i32
    %mul3A_1 = arith.constant 2560 : i32
    %mul3A_2 = arith.muli %add3A, %mul3A_1 : i32
    "tpu.region"() ({
      %run_scoped3A = tpu.sem_alloc : memref<!tpu.dma_semaphore, #tpu.memory_space<semaphore_mem>>
      %dma_start3A_46 = tpu.memref_slice %arg2[%mul3A_2] : memref<81920xi32, #tpu.memory_space<hbm>> -> memref<2560xi32, #tpu.memory_space<hbm>>
      %dma_start3A_47 = tpu.memref_slice %arg2[%mul3A_2] : memref<81920xi32, #tpu.memory_space<hbm>> -> memref<2560xi32, #tpu.memory_space<hbm>>
      tpu.enqueue_dma source(%dma_start3A_47 : memref<2560xi32, #tpu.memory_space<hbm>>) target(%arg7 : memref<2560xi32, #tpu.memory_space<vmem>>) target_semaphore(%run_scoped3A : memref<!tpu.dma_semaphore, #tpu.memory_space<semaphore_mem>>)
      %dma_wait3A_48 = tpu.memref_slice %arg2[%mul3A_2] : memref<81920xi32, #tpu.memory_space<hbm>> -> memref<2560xi32, #tpu.memory_space<hbm>>
      %dma_wait3A_49 = tpu.memref_slice %arg2[%mul3A_2] : memref<81920xi32, #tpu.memory_space<hbm>> -> memref<2560xi32, #tpu.memory_space<hbm>>
      tpu.wait_dma2 semaphore(%run_scoped3A : memref<!tpu.dma_semaphore, #tpu.memory_space<semaphore_mem>>) src(%dma_wait3A_49 : memref<2560xi32, #tpu.memory_space<hbm>>) dst(%arg7 : memref<2560xi32, #tpu.memory_space<vmem>>)
      tpu.yield
    }) : () -> ()
    "tpu.region"() ({
      %run_scoped3A = tpu.sem_alloc : memref<!tpu.dma_semaphore, #tpu.memory_space<semaphore_mem>>
      %dma_start3A_46 = tpu.memref_slice %arg3[%mul3A_2] : memref<81920xi32, #tpu.memory_space<hbm>> -> memref<2560xi32, #tpu.memory_space<hbm>>
      %dma_start3A_47 = tpu.memref_slice %arg3[%mul3A_2] : memref<81920xi32, #tpu.memory_space<hbm>> -> memref<2560xi32, #tpu.memory_space<hbm>>
      tpu.enqueue_dma source(%dma_start3A_47 : memref<2560xi32, #tpu.memory_space<hbm>>) target(%arg8 : memref<2560xi32, #tpu.memory_space<vmem>>) target_semaphore(%run_scoped3A : memref<!tpu.dma_semaphore, #tpu.memory_space<semaphore_mem>>)
      %dma_wait3A_48 = tpu.memref_slice %arg3[%mul3A_2] : memref<81920xi32, #tpu.memory_space<hbm>> -> memref<2560xi32, #tpu.memory_space<hbm>>
      %dma_wait3A_49 = tpu.memref_slice %arg3[%mul3A_2] : memref<81920xi32, #tpu.memory_space<hbm>> -> memref<2560xi32, #tpu.memory_space<hbm>>
      tpu.wait_dma2 semaphore(%run_scoped3A : memref<!tpu.dma_semaphore, #tpu.memory_space<semaphore_mem>>) src(%dma_wait3A_49 : memref<2560xi32, #tpu.memory_space<hbm>>) dst(%arg8 : memref<2560xi32, #tpu.memory_space<vmem>>)
      tpu.yield
    }) : () -> ()
    %iota3A = tpu.iota {dimensions = array<i32: 0>} : vector<16xi32>
    %scan3A = arith.constant 0 : i32
    %scan3A_3 = arith.constant 160 : i32
    %scan3A_4 = arith.addi %scan3A, %scan3A_3 : i32
    %scan3A_5 = arith.constant 1 : i32
    scf.for %scan3A_46 = %scan3A to %scan3A_4 step %scan3A_5  : i32 {
      %mul3A_47 = arith.constant 16 : i32
      %mul3A_48 = arith.muli %scan3A_46, %mul3A_47 : i32
      %add3A_49 = vector.broadcast %mul3A_48 : i32 to vector<16xi32>
      %add3A_50 = arith.addi %add3A_49, %iota3A : vector<16xi32>
      %and3A = arith.constant 511 : i32
      %and3A_51 = vector.broadcast %and3A : i32 to vector<16xi32>
      %and3A_52 = arith.andi %add3A_50, %and3A_51 : vector<16xi32>
      %sub3A = arith.subi %add3A_50, %and3A_52 : vector<16xi32>
      %and3A_53 = arith.constant 1 : i32
      %and3A_54 = vector.broadcast %and3A_53 : i32 to vector<16xi32>
      %and3A_55 = arith.andi %and3A_52, %and3A_54 : vector<16xi32>
      %shift_left3A = arith.constant 8 : i32
      %shift_left3A_56 = vector.broadcast %shift_left3A : i32 to vector<16xi32>
      %shift_left3A_57 = arith.shli %and3A_55, %shift_left3A_56 : vector<16xi32>
      %add3A_58 = arith.addi %sub3A, %shift_left3A_57 : vector<16xi32>
      %shift_right_arithmetic3A = arith.constant 1 : i32
      %shift_right_arithmetic3A_59 = vector.broadcast %shift_right_arithmetic3A : i32 to vector<16xi32>
      %shift_right_arithmetic3A_60 = arith.shrsi %and3A_52, %shift_right_arithmetic3A_59 : vector<16xi32>
      %add3A_61 = arith.addi %add3A_58, %shift_right_arithmetic3A_60 : vector<16xi32>
      %gather3A = tpu.vector_load_idx %arg7[%add3A_61] : memref<2560xi32, #tpu.memory_space<vmem>>[vector<16xi32>], vector<16xi32>,
      %and3A_62 = arith.constant 16383 : i32
      %and3A_63 = vector.broadcast %and3A_62 : i32 to vector<16xi32>
      %and3A_64 = arith.andi %gather3A, %and3A_63 : vector<16xi32>
      %sub3A_65 = arith.subi %gather3A, %and3A_64 : vector<16xi32>
      %and3A_66 = arith.constant 8191 : i32
      %and3A_67 = vector.broadcast %and3A_66 : i32 to vector<16xi32>
      %and3A_68 = arith.andi %and3A_64, %and3A_67 : vector<16xi32>
      %shift_left3A_69 = arith.constant 1 : i32
      %shift_left3A_70 = vector.broadcast %shift_left3A_69 : i32 to vector<16xi32>
      %shift_left3A_71 = arith.shli %and3A_68, %shift_left3A_70 : vector<16xi32>
      %add3A_72 = arith.addi %sub3A_65, %shift_left3A_71 : vector<16xi32>
      %shift_right_arithmetic3A_73 = arith.constant 13 : i32
      %shift_right_arithmetic3A_74 = vector.broadcast %shift_right_arithmetic3A_73 : i32 to vector<16xi32>
      %shift_right_arithmetic3A_75 = arith.shrsi %and3A_64, %shift_right_arithmetic3A_74 : vector<16xi32>
      %add3A_76 = arith.addi %add3A_72, %shift_right_arithmetic3A_75 : vector<16xi32>
      %mul3A_77 = arith.constant 16 : i32
      %mul3A_78 = arith.muli %scan3A_46, %mul3A_77 : i32
      %swap3A = arith.index_cast %mul3A_78 : i32 to index
      %swap3A_79 = tpu.vector_load %arg9[%swap3A] {strides = array<i32>} : memref<2560xi32, #tpu.memory_space<vmem>>, vector<16xi32>,
      tpu.vector_store %arg9[%swap3A], %add3A_76 {strides = array<i32>} : memref<2560xi32, #tpu.memory_space<vmem>>, vector<16xi32>,
    }
    %scan3A_6 = arith.constant 160 : i32
    %scan3A_7 = arith.constant 0 : i32
    %scan3A_8 = arith.constant 160 : i32
    %scan3A_9 = arith.addi %scan3A_7, %scan3A_8 : i32
    %scan3A_10 = arith.constant 1 : i32
    scf.for %scan3A_46 = %scan3A_7 to %scan3A_9 step %scan3A_10  : i32 {
      %mul3A_47 = arith.constant 16 : i32
      %mul3A_48 = arith.muli %scan3A_46, %mul3A_47 : i32
      %add3A_49 = vector.broadcast %mul3A_48 : i32 to vector<16xi32>
      %add3A_50 = arith.addi %add3A_49, %iota3A : vector<16xi32>
      %and3A = arith.constant 511 : i32
      %and3A_51 = vector.broadcast %and3A : i32 to vector<16xi32>
      %and3A_52 = arith.andi %add3A_50, %and3A_51 : vector<16xi32>
      %sub3A = arith.subi %add3A_50, %and3A_52 : vector<16xi32>
      %and3A_53 = arith.constant 1 : i32
      %and3A_54 = vector.broadcast %and3A_53 : i32 to vector<16xi32>
      %and3A_55 = arith.andi %and3A_52, %and3A_54 : vector<16xi32>
      %shift_left3A = arith.constant 8 : i32
      %shift_left3A_56 = vector.broadcast %shift_left3A : i32 to vector<16xi32>
      %shift_left3A_57 = arith.shli %and3A_55, %shift_left3A_56 : vector<16xi32>
      %add3A_58 = arith.addi %sub3A, %shift_left3A_57 : vector<16xi32>
      %shift_right_arithmetic3A = arith.constant 1 : i32
      %shift_right_arithmetic3A_59 = vector.broadcast %shift_right_arithmetic3A : i32 to vector<16xi32>
      %shift_right_arithmetic3A_60 = arith.shrsi %and3A_52, %shift_right_arithmetic3A_59 : vector<16xi32>
      %add3A_61 = arith.addi %add3A_58, %shift_right_arithmetic3A_60 : vector<16xi32>
      %gather3A = tpu.vector_load_idx %arg8[%add3A_61] : memref<2560xi32, #tpu.memory_space<vmem>>[vector<16xi32>], vector<16xi32>,
      %and3A_62 = arith.constant 16383 : i32
      %and3A_63 = vector.broadcast %and3A_62 : i32 to vector<16xi32>
      %and3A_64 = arith.andi %gather3A, %and3A_63 : vector<16xi32>
      %sub3A_65 = arith.subi %gather3A, %and3A_64 : vector<16xi32>
      %and3A_66 = arith.constant 8191 : i32
      %and3A_67 = vector.broadcast %and3A_66 : i32 to vector<16xi32>
      %and3A_68 = arith.andi %and3A_64, %and3A_67 : vector<16xi32>
      %shift_left3A_69 = arith.constant 1 : i32
      %shift_left3A_70 = vector.broadcast %shift_left3A_69 : i32 to vector<16xi32>
      %shift_left3A_71 = arith.shli %and3A_68, %shift_left3A_70 : vector<16xi32>
      %add3A_72 = arith.addi %sub3A_65, %shift_left3A_71 : vector<16xi32>
      %shift_right_arithmetic3A_73 = arith.constant 13 : i32
      %shift_right_arithmetic3A_74 = vector.broadcast %shift_right_arithmetic3A_73 : i32 to vector<16xi32>
      %shift_right_arithmetic3A_75 = arith.shrsi %and3A_64, %shift_right_arithmetic3A_74 : vector<16xi32>
      %add3A_76 = arith.addi %add3A_72, %shift_right_arithmetic3A_75 : vector<16xi32>
      %mul3A_77 = arith.constant 16 : i32
      %mul3A_78 = arith.muli %scan3A_46, %mul3A_77 : i32
      %swap3A = arith.index_cast %mul3A_78 : i32 to index
      %swap3A_79 = tpu.vector_load %arg10[%swap3A] {strides = array<i32>} : memref<2560xi32, #tpu.memory_space<vmem>>, vector<16xi32>,
      tpu.vector_store %arg10[%swap3A], %add3A_76 {strides = array<i32>} : memref<2560xi32, #tpu.memory_space<vmem>>, vector<16xi32>,
    }
    %scan3A_11 = arith.constant 160 : i32
    %dma_start3A = arith.constant 0 : i32
    %dma_start3A_12 = tpu.memref_slice %arg9[%dma_start3A] : memref<2560xi32, #tpu.memory_space<vmem>> -> memref<512xi32, #tpu.memory_space<vmem>>
    %dma_start3A_13 = arith.constant 0 : i32
    %dma_start3A_14 = arith.constant 0 : i32
    %dma_start3A_15 = tpu.memref_slice %arg4[%dma_start3A_13, %dma_start3A_14] : memref<1015808x64xf32, #tpu.memory_space<hbm>> -> memref<1015808x64xf32, #tpu.memory_space<hbm>>
    tpu.enqueue_indirect_dma source(%dma_start3A_15 : memref<1015808x64xf32, #tpu.memory_space<hbm>>) target(%arg11 : memref<512x64xf32, #tpu.memory_space<vmem>>) offsets(%dma_start3A_12 : memref<512xi32, #tpu.memory_space<vmem>>) semaphore(%arg13 : memref<!tpu.dma_semaphore, #tpu.memory_space<semaphore_mem>>)
    %scan3A_16 = arith.constant 0 : i32
    %scan3A_17 = arith.constant 2 : i32
    %scan3A_18 = arith.addi %scan3A_16, %scan3A_17 : i32
    %scan3A_19 = arith.constant 1 : i32
    scf.for %scan3A_46 = %scan3A_16 to %scan3A_18 step %scan3A_19  : i32 {
      %mul3A_47 = arith.constant 2 : i32
      %mul3A_48 = arith.muli %scan3A_46, %mul3A_47 : i32
      %add3A_49 = arith.constant 1 : i32
      %add3A_50 = arith.addi %mul3A_48, %add3A_49 : i32
      %add3A_51 = arith.constant 2 : i32
      %add3A_52 = arith.addi %mul3A_48, %add3A_51 : i32
      %min3A = arith.constant 4 : i32
      %min3A_53 = arith.minsi %add3A_52, %min3A : i32
      %dma_wait3A_54 = arith.constant 0 : i32
      %dma_wait3A_55 = arith.constant 0 : i32
      %dma_wait3A_56 = tpu.memref_slice %arg4[%dma_wait3A_54, %dma_wait3A_55] : memref<1015808x64xf32, #tpu.memory_space<hbm>> -> memref<512x64xf32, #tpu.memory_space<hbm>>
      %dma_wait3A_57 = arith.constant 0 : i32
      %dma_wait3A_58 = arith.constant 0 : i32
      %dma_wait3A_59 = tpu.memref_slice %arg4[%dma_wait3A_57, %dma_wait3A_58] : memref<1015808x64xf32, #tpu.memory_space<hbm>> -> memref<512x64xf32, #tpu.memory_space<hbm>>
      tpu.wait_dma2 semaphore(%arg13 : memref<!tpu.dma_semaphore, #tpu.memory_space<semaphore_mem>>) src(%dma_wait3A_59 : memref<512x64xf32, #tpu.memory_space<hbm>>) dst(%arg11 : memref<512x64xf32, #tpu.memory_space<vmem>>)
      %mul3A_60 = arith.constant 512 : i32
      %mul3A_61 = arith.muli %add3A_50, %mul3A_60 : i32
      %dma_start3A_62 = tpu.memref_slice %arg9[%mul3A_61] : memref<2560xi32, #tpu.memory_space<vmem>> -> memref<512xi32, #tpu.memory_space<vmem>>
      %dma_start3A_63 = arith.constant 0 : i32
      %dma_start3A_64 = arith.constant 0 : i32
      %dma_start3A_65 = tpu.memref_slice %arg4[%dma_start3A_63, %dma_start3A_64] : memref<1015808x64xf32, #tpu.memory_space<hbm>> -> memref<1015808x64xf32, #tpu.memory_space<hbm>>
      tpu.enqueue_indirect_dma source(%dma_start3A_65 : memref<1015808x64xf32, #tpu.memory_space<hbm>>) target(%arg12 : memref<512x64xf32, #tpu.memory_space<vmem>>) offsets(%dma_start3A_62 : memref<512xi32, #tpu.memory_space<vmem>>) semaphore(%arg14 : memref<!tpu.dma_semaphore, #tpu.memory_space<semaphore_mem>>)
      %mul3A_66 = arith.constant 512 : i32
      %mul3A_67 = arith.muli %mul3A_48, %mul3A_66 : i32
      %add3A_68 = arith.addi %mul3A_2, %mul3A_67 : i32
      "tpu.region"() ({
        %run_scoped3A = tpu.sem_alloc : memref<!tpu.dma_semaphore, #tpu.memory_space<semaphore_mem>>
        %dma_start3A_84 = arith.constant 0 : i32
        %dma_start3A_85 = tpu.memref_slice %arg5[%add3A_68, %dma_start3A_84] : memref<81920x64xf32, #tpu.memory_space<hbm>> -> memref<512x64xf32, #tpu.memory_space<hbm>>
        %dma_start3A_86 = arith.constant 0 : i32
        %dma_start3A_87 = tpu.memref_slice %arg5[%add3A_68, %dma_start3A_86] : memref<81920x64xf32, #tpu.memory_space<hbm>> -> memref<512x64xf32, #tpu.memory_space<hbm>>
        tpu.enqueue_dma source(%arg11 : memref<512x64xf32, #tpu.memory_space<vmem>>) target(%dma_start3A_87 : memref<512x64xf32, #tpu.memory_space<hbm>>) target_semaphore(%run_scoped3A : memref<!tpu.dma_semaphore, #tpu.memory_space<semaphore_mem>>)
        %dma_wait3A_88 = arith.constant 0 : i32
        %dma_wait3A_89 = tpu.memref_slice %arg5[%add3A_68, %dma_wait3A_88] : memref<81920x64xf32, #tpu.memory_space<hbm>> -> memref<512x64xf32, #tpu.memory_space<hbm>>
        %dma_wait3A_90 = arith.constant 0 : i32
        %dma_wait3A_91 = tpu.memref_slice %arg5[%add3A_68, %dma_wait3A_90] : memref<81920x64xf32, #tpu.memory_space<hbm>> -> memref<512x64xf32, #tpu.memory_space<hbm>>
        tpu.wait_dma2 semaphore(%run_scoped3A : memref<!tpu.dma_semaphore, #tpu.memory_space<semaphore_mem>>) src(%arg11 : memref<512x64xf32, #tpu.memory_space<vmem>>) dst(%dma_wait3A_91 : memref<512x64xf32, #tpu.memory_space<hbm>>)
        tpu.yield
      }) : () -> ()
      %dma_wait3A_69 = arith.constant 0 : i32
      %dma_wait3A_70 = arith.constant 0 : i32
      %dma_wait3A_71 = tpu.memref_slice %arg4[%dma_wait3A_69, %dma_wait3A_70] : memref<1015808x64xf32, #tpu.memory_space<hbm>> -> memref<512x64xf32, #tpu.memory_space<hbm>>
      %dma_wait3A_72 = arith.constant 0 : i32
      %dma_wait3A_73 = arith.constant 0 : i32
      %dma_wait3A_74 = tpu.memref_slice %arg4[%dma_wait3A_72, %dma_wait3A_73] : memref<1015808x64xf32, #tpu.memory_space<hbm>> -> memref<512x64xf32, #tpu.memory_space<hbm>>
      tpu.wait_dma2 semaphore(%arg14 : memref<!tpu.dma_semaphore, #tpu.memory_space<semaphore_mem>>) src(%dma_wait3A_74 : memref<512x64xf32, #tpu.memory_space<hbm>>) dst(%arg12 : memref<512x64xf32, #tpu.memory_space<vmem>>)
      %mul3A_75 = arith.constant 512 : i32
      %mul3A_76 = arith.muli %min3A_53, %mul3A_75 : i32
      %dma_start3A_77 = tpu.memref_slice %arg9[%mul3A_76] : memref<2560xi32, #tpu.memory_space<vmem>> -> memref<512xi32, #tpu.memory_space<vmem>>
      %dma_start3A_78 = arith.constant 0 : i32
      %dma_start3A_79 = arith.constant 0 : i32
      %dma_start3A_80 = tpu.memref_slice %arg4[%dma_start3A_78, %dma_start3A_79] : memref<1015808x64xf32, #tpu.memory_space<hbm>> -> memref<1015808x64xf32, #tpu.memory_space<hbm>>
      tpu.enqueue_indirect_dma source(%dma_start3A_80 : memref<1015808x64xf32, #tpu.memory_space<hbm>>) target(%arg11 : memref<512x64xf32, #tpu.memory_space<vmem>>) offsets(%dma_start3A_77 : memref<512xi32, #tpu.memory_space<vmem>>) semaphore(%arg13 : memref<!tpu.dma_semaphore, #tpu.memory_space<semaphore_mem>>)
      %mul3A_81 = arith.constant 512 : i32
      %mul3A_82 = arith.muli %add3A_50, %mul3A_81 : i32
      %add3A_83 = arith.addi %mul3A_2, %mul3A_82 : i32
      "tpu.region"() ({
        %run_scoped3A = tpu.sem_alloc : memref<!tpu.dma_semaphore, #tpu.memory_space<semaphore_mem>>
        %dma_start3A_84 = arith.constant 0 : i32
        %dma_start3A_85 = tpu.memref_slice %arg5[%add3A_83, %dma_start3A_84] : memref<81920x64xf32, #tpu.memory_space<hbm>> -> memref<512x64xf32, #tpu.memory_space<hbm>>
        %dma_start3A_86 = arith.constant 0 : i32
        %dma_start3A_87 = tpu.memref_slice %arg5[%add3A_83, %dma_start3A_86] : memref<81920x64xf32, #tpu.memory_space<hbm>> -> memref<512x64xf32, #tpu.memory_space<hbm>>
        tpu.enqueue_dma source(%arg12 : memref<512x64xf32, #tpu.memory_space<vmem>>) target(%dma_start3A_87 : memref<512x64xf32, #tpu.memory_space<hbm>>) target_semaphore(%run_scoped3A : memref<!tpu.dma_semaphore, #tpu.memory_space<semaphore_mem>>)
        %dma_wait3A_88 = arith.constant 0 : i32
        %dma_wait3A_89 = tpu.memref_slice %arg5[%add3A_83, %dma_wait3A_88] : memref<81920x64xf32, #tpu.memory_space<hbm>> -> memref<512x64xf32, #tpu.memory_space<hbm>>
        %dma_wait3A_90 = arith.constant 0 : i32
        %dma_wait3A_91 = tpu.memref_slice %arg5[%add3A_83, %dma_wait3A_90] : memref<81920x64xf32, #tpu.memory_space<hbm>> -> memref<512x64xf32, #tpu.memory_space<hbm>>
        tpu.wait_dma2 semaphore(%run_scoped3A : memref<!tpu.dma_semaphore, #tpu.memory_space<semaphore_mem>>) src(%arg12 : memref<512x64xf32, #tpu.memory_space<vmem>>) dst(%dma_wait3A_91 : memref<512x64xf32, #tpu.memory_space<hbm>>)
        tpu.yield
      }) : () -> ()
    }
    %scan3A_20 = arith.constant 2 : i32
    %dma_wait3A = arith.constant 0 : i32
    %dma_wait3A_21 = arith.constant 0 : i32
    %dma_wait3A_22 = tpu.memref_slice %arg4[%dma_wait3A, %dma_wait3A_21] : memref<1015808x64xf32, #tpu.memory_space<hbm>> -> memref<512x64xf32, #tpu.memory_space<hbm>>
    %dma_wait3A_23 = arith.constant 0 : i32
    %dma_wait3A_24 = arith.constant 0 : i32
    %dma_wait3A_25 = tpu.memref_slice %arg4[%dma_wait3A_23, %dma_wait3A_24] : memref<1015808x64xf32, #tpu.memory_space<hbm>> -> memref<512x64xf32, #tpu.memory_space<hbm>>
    tpu.wait_dma2 semaphore(%arg13 : memref<!tpu.dma_semaphore, #tpu.memory_space<semaphore_mem>>) src(%dma_wait3A_25 : memref<512x64xf32, #tpu.memory_space<hbm>>) dst(%arg11 : memref<512x64xf32, #tpu.memory_space<vmem>>)
    %add3A_26 = arith.constant 2048 : i32
    %add3A_27 = arith.addi %mul3A_2, %add3A_26 : i32
    "tpu.region"() ({
      %run_scoped3A = tpu.sem_alloc : memref<!tpu.dma_semaphore, #tpu.memory_space<semaphore_mem>>
      %dma_start3A_46 = arith.constant 0 : i32
      %dma_start3A_47 = tpu.memref_slice %arg5[%add3A_27, %dma_start3A_46] : memref<81920x64xf32, #tpu.memory_space<hbm>> -> memref<512x64xf32, #tpu.memory_space<hbm>>
      %dma_start3A_48 = arith.constant 0 : i32
      %dma_start3A_49 = tpu.memref_slice %arg5[%add3A_27, %dma_start3A_48] : memref<81920x64xf32, #tpu.memory_space<hbm>> -> memref<512x64xf32, #tpu.memory_space<hbm>>
      tpu.enqueue_dma source(%arg11 : memref<512x64xf32, #tpu.memory_space<vmem>>) target(%dma_start3A_49 : memref<512x64xf32, #tpu.memory_space<hbm>>) target_semaphore(%run_scoped3A : memref<!tpu.dma_semaphore, #tpu.memory_space<semaphore_mem>>)
      %dma_wait3A_50 = arith.constant 0 : i32
      %dma_wait3A_51 = tpu.memref_slice %arg5[%add3A_27, %dma_wait3A_50] : memref<81920x64xf32, #tpu.memory_space<hbm>> -> memref<512x64xf32, #tpu.memory_space<hbm>>
      %dma_wait3A_52 = arith.constant 0 : i32
      %dma_wait3A_53 = tpu.memref_slice %arg5[%add3A_27, %dma_wait3A_52] : memref<81920x64xf32, #tpu.memory_space<hbm>> -> memref<512x64xf32, #tpu.memory_space<hbm>>
      tpu.wait_dma2 semaphore(%run_scoped3A : memref<!tpu.dma_semaphore, #tpu.memory_space<semaphore_mem>>) src(%arg11 : memref<512x64xf32, #tpu.memory_space<vmem>>) dst(%dma_wait3A_53 : memref<512x64xf32, #tpu.memory_space<hbm>>)
      tpu.yield
    }) : () -> ()
    %dma_start3A_28 = arith.constant 0 : i32
    %dma_start3A_29 = tpu.memref_slice %arg10[%dma_start3A_28] : memref<2560xi32, #tpu.memory_space<vmem>> -> memref<512xi32, #tpu.memory_space<vmem>>
    %dma_start3A_30 = arith.constant 0 : i32
    %dma_start3A_31 = arith.constant 0 : i32
    %dma_start3A_32 = tpu.memref_slice %arg4[%dma_start3A_30, %dma_start3A_31] : memref<1015808x64xf32, #tpu.memory_space<hbm>> -> memref<1015808x64xf32, #tpu.memory_space<hbm>>
    tpu.enqueue_indirect_dma source(%dma_start3A_32 : memref<1015808x64xf32, #tpu.memory_space<hbm>>) target(%arg11 : memref<512x64xf32, #tpu.memory_space<vmem>>) offsets(%dma_start3A_29 : memref<512xi32, #tpu.memory_space<vmem>>) semaphore(%arg13 : memref<!tpu.dma_semaphore, #tpu.memory_space<semaphore_mem>>)
    %scan3A_33 = arith.constant 0 : i32
    %scan3A_34 = arith.constant 2 : i32
    %scan3A_35 = arith.addi %scan3A_33, %scan3A_34 : i32
    %scan3A_36 = arith.constant 1 : i32
    scf.for %scan3A_46 = %scan3A_33 to %scan3A_35 step %scan3A_36  : i32 {
      %mul3A_47 = arith.constant 2 : i32
      %mul3A_48 = arith.muli %scan3A_46, %mul3A_47 : i32
      %add3A_49 = arith.constant 1 : i32
      %add3A_50 = arith.addi %mul3A_48, %add3A_49 : i32
      %add3A_51 = arith.constant 2 : i32
      %add3A_52 = arith.addi %mul3A_48, %add3A_51 : i32
      %min3A = arith.constant 4 : i32
      %min3A_53 = arith.minsi %add3A_52, %min3A : i32
      %dma_wait3A_54 = arith.constant 0 : i32
      %dma_wait3A_55 = arith.constant 0 : i32
      %dma_wait3A_56 = tpu.memref_slice %arg4[%dma_wait3A_54, %dma_wait3A_55] : memref<1015808x64xf32, #tpu.memory_space<hbm>> -> memref<512x64xf32, #tpu.memory_space<hbm>>
      %dma_wait3A_57 = arith.constant 0 : i32
      %dma_wait3A_58 = arith.constant 0 : i32
      %dma_wait3A_59 = tpu.memref_slice %arg4[%dma_wait3A_57, %dma_wait3A_58] : memref<1015808x64xf32, #tpu.memory_space<hbm>> -> memref<512x64xf32, #tpu.memory_space<hbm>>
      tpu.wait_dma2 semaphore(%arg13 : memref<!tpu.dma_semaphore, #tpu.memory_space<semaphore_mem>>) src(%dma_wait3A_59 : memref<512x64xf32, #tpu.memory_space<hbm>>) dst(%arg11 : memref<512x64xf32, #tpu.memory_space<vmem>>)
      %mul3A_60 = arith.constant 512 : i32
      %mul3A_61 = arith.muli %add3A_50, %mul3A_60 : i32
      %dma_start3A_62 = tpu.memref_slice %arg10[%mul3A_61] : memref<2560xi32, #tpu.memory_space<vmem>> -> memref<512xi32, #tpu.memory_space<vmem>>
      %dma_start3A_63 = arith.constant 0 : i32
      %dma_start3A_64 = arith.constant 0 : i32
      %dma_start3A_65 = tpu.memref_slice %arg4[%dma_start3A_63, %dma_start3A_64] : memref<1015808x64xf32, #tpu.memory_space<hbm>> -> memref<1015808x64xf32, #tpu.memory_space<hbm>>
      tpu.enqueue_indirect_dma source(%dma_start3A_65 : memref<1015808x64xf32, #tpu.memory_space<hbm>>) target(%arg12 : memref<512x64xf32, #tpu.memory_space<vmem>>) offsets(%dma_start3A_62 : memref<512xi32, #tpu.memory_space<vmem>>) semaphore(%arg14 : memref<!tpu.dma_semaphore, #tpu.memory_space<semaphore_mem>>)
      %mul3A_66 = arith.constant 512 : i32
      %mul3A_67 = arith.muli %mul3A_48, %mul3A_66 : i32
      %add3A_68 = arith.addi %mul3A_2, %mul3A_67 : i32
      "tpu.region"() ({
        %run_scoped3A = tpu.sem_alloc : memref<!tpu.dma_semaphore, #tpu.memory_space<semaphore_mem>>
        %dma_start3A_84 = arith.constant 0 : i32
        %dma_start3A_85 = tpu.memref_slice %arg6[%add3A_68, %dma_start3A_84] : memref<81920x64xf32, #tpu.memory_space<hbm>> -> memref<512x64xf32, #tpu.memory_space<hbm>>
        %dma_start3A_86 = arith.constant 0 : i32
        %dma_start3A_87 = tpu.memref_slice %arg6[%add3A_68, %dma_start3A_86] : memref<81920x64xf32, #tpu.memory_space<hbm>> -> memref<512x64xf32, #tpu.memory_space<hbm>>
        tpu.enqueue_dma source(%arg11 : memref<512x64xf32, #tpu.memory_space<vmem>>) target(%dma_start3A_87 : memref<512x64xf32, #tpu.memory_space<hbm>>) target_semaphore(%run_scoped3A : memref<!tpu.dma_semaphore, #tpu.memory_space<semaphore_mem>>)
        %dma_wait3A_88 = arith.constant 0 : i32
        %dma_wait3A_89 = tpu.memref_slice %arg6[%add3A_68, %dma_wait3A_88] : memref<81920x64xf32, #tpu.memory_space<hbm>> -> memref<512x64xf32, #tpu.memory_space<hbm>>
        %dma_wait3A_90 = arith.constant 0 : i32
        %dma_wait3A_91 = tpu.memref_slice %arg6[%add3A_68, %dma_wait3A_90] : memref<81920x64xf32, #tpu.memory_space<hbm>> -> memref<512x64xf32, #tpu.memory_space<hbm>>
        tpu.wait_dma2 semaphore(%run_scoped3A : memref<!tpu.dma_semaphore, #tpu.memory_space<semaphore_mem>>) src(%arg11 : memref<512x64xf32, #tpu.memory_space<vmem>>) dst(%dma_wait3A_91 : memref<512x64xf32, #tpu.memory_space<hbm>>)
        tpu.yield
      }) : () -> ()
      %dma_wait3A_69 = arith.constant 0 : i32
      %dma_wait3A_70 = arith.constant 0 : i32
      %dma_wait3A_71 = tpu.memref_slice %arg4[%dma_wait3A_69, %dma_wait3A_70] : memref<1015808x64xf32, #tpu.memory_space<hbm>> -> memref<512x64xf32, #tpu.memory_space<hbm>>
      %dma_wait3A_72 = arith.constant 0 : i32
      %dma_wait3A_73 = arith.constant 0 : i32
      %dma_wait3A_74 = tpu.memref_slice %arg4[%dma_wait3A_72, %dma_wait3A_73] : memref<1015808x64xf32, #tpu.memory_space<hbm>> -> memref<512x64xf32, #tpu.memory_space<hbm>>
      tpu.wait_dma2 semaphore(%arg14 : memref<!tpu.dma_semaphore, #tpu.memory_space<semaphore_mem>>) src(%dma_wait3A_74 : memref<512x64xf32, #tpu.memory_space<hbm>>) dst(%arg12 : memref<512x64xf32, #tpu.memory_space<vmem>>)
      %mul3A_75 = arith.constant 512 : i32
      %mul3A_76 = arith.muli %min3A_53, %mul3A_75 : i32
      %dma_start3A_77 = tpu.memref_slice %arg10[%mul3A_76] : memref<2560xi32, #tpu.memory_space<vmem>> -> memref<512xi32, #tpu.memory_space<vmem>>
      %dma_start3A_78 = arith.constant 0 : i32
      %dma_start3A_79 = arith.constant 0 : i32
      %dma_start3A_80 = tpu.memref_slice %arg4[%dma_start3A_78, %dma_start3A_79] : memref<1015808x64xf32, #tpu.memory_space<hbm>> -> memref<1015808x64xf32, #tpu.memory_space<hbm>>
      tpu.enqueue_indirect_dma source(%dma_start3A_80 : memref<1015808x64xf32, #tpu.memory_space<hbm>>) target(%arg11 : memref<512x64xf32, #tpu.memory_space<vmem>>) offsets(%dma_start3A_77 : memref<512xi32, #tpu.memory_space<vmem>>) semaphore(%arg13 : memref<!tpu.dma_semaphore, #tpu.memory_space<semaphore_mem>>)
      %mul3A_81 = arith.constant 512 : i32
      %mul3A_82 = arith.muli %add3A_50, %mul3A_81 : i32
      %add3A_83 = arith.addi %mul3A_2, %mul3A_82 : i32
      "tpu.region"() ({
        %run_scoped3A = tpu.sem_alloc : memref<!tpu.dma_semaphore, #tpu.memory_space<semaphore_mem>>
        %dma_start3A_84 = arith.constant 0 : i32
        %dma_start3A_85 = tpu.memref_slice %arg6[%add3A_83, %dma_start3A_84] : memref<81920x64xf32, #tpu.memory_space<hbm>> -> memref<512x64xf32, #tpu.memory_space<hbm>>
        %dma_start3A_86 = arith.constant 0 : i32
        %dma_start3A_87 = tpu.memref_slice %arg6[%add3A_83, %dma_start3A_86] : memref<81920x64xf32, #tpu.memory_space<hbm>> -> memref<512x64xf32, #tpu.memory_space<hbm>>
        tpu.enqueue_dma source(%arg12 : memref<512x64xf32, #tpu.memory_space<vmem>>) target(%dma_start3A_87 : memref<512x64xf32, #tpu.memory_space<hbm>>) target_semaphore(%run_scoped3A : memref<!tpu.dma_semaphore, #tpu.memory_space<semaphore_mem>>)
        %dma_wait3A_88 = arith.constant 0 : i32
        %dma_wait3A_89 = tpu.memref_slice %arg6[%add3A_83, %dma_wait3A_88] : memref<81920x64xf32, #tpu.memory_space<hbm>> -> memref<512x64xf32, #tpu.memory_space<hbm>>
        %dma_wait3A_90 = arith.constant 0 : i32
        %dma_wait3A_91 = tpu.memref_slice %arg6[%add3A_83, %dma_wait3A_90] : memref<81920x64xf32, #tpu.memory_space<hbm>> -> memref<512x64xf32, #tpu.memory_space<hbm>>
        tpu.wait_dma2 semaphore(%run_scoped3A : memref<!tpu.dma_semaphore, #tpu.memory_space<semaphore_mem>>) src(%arg12 : memref<512x64xf32, #tpu.memory_space<vmem>>) dst(%dma_wait3A_91 : memref<512x64xf32, #tpu.memory_space<hbm>>)
        tpu.yield
      }) : () -> ()
    }
    %scan3A_37 = arith.constant 2 : i32
    %dma_wait3A_38 = arith.constant 0 : i32
    %dma_wait3A_39 = arith.constant 0 : i32
    %dma_wait3A_40 = tpu.memref_slice %arg4[%dma_wait3A_38, %dma_wait3A_39] : memref<1015808x64xf32, #tpu.memory_space<hbm>> -> memref<512x64xf32, #tpu.memory_space<hbm>>
    %dma_wait3A_41 = arith.constant 0 : i32
    %dma_wait3A_42 = arith.constant 0 : i32
    %dma_wait3A_43 = tpu.memref_slice %arg4[%dma_wait3A_41, %dma_wait3A_42] : memref<1015808x64xf32, #tpu.memory_space<hbm>> -> memref<512x64xf32, #tpu.memory_space<hbm>>
    tpu.wait_dma2 semaphore(%arg13 : memref<!tpu.dma_semaphore, #tpu.memory_space<semaphore_mem>>) src(%dma_wait3A_43 : memref<512x64xf32, #tpu.memory_space<hbm>>) dst(%arg11 : memref<512x64xf32, #tpu.memory_space<vmem>>)
    %add3A_44 = arith.constant 2048 : i32
    %add3A_45 = arith.addi %mul3A_2, %add3A_44 : i32
    "tpu.region"() ({
      %run_scoped3A = tpu.sem_alloc : memref<!tpu.dma_semaphore, #tpu.memory_space<semaphore_mem>>
      %dma_start3A_46 = arith.constant 0 : i32
      %dma_start3A_47 = tpu.memref_slice %arg6[%add3A_45, %dma_start3A_46] : memref<81920x64xf32, #tpu.memory_space<hbm>> -> memref<512x64xf32, #tpu.memory_space<hbm>>
      %dma_start3A_48 = arith.constant 0 : i32
      %dma_start3A_49 = tpu.memref_slice %arg6[%add3A_45, %dma_start3A_48] : memref<81920x64xf32, #tpu.memory_space<hbm>> -> memref<512x64xf32, #tpu.memory_space<hbm>>
      tpu.enqueue_dma source(%arg11 : memref<512x64xf32, #tpu.memory_space<vmem>>) target(%dma_start3A_49 : memref<512x64xf32, #tpu.memory_space<hbm>>) target_semaphore(%run_scoped3A : memref<!tpu.dma_semaphore, #tpu.memory_space<semaphore_mem>>)
      %dma_wait3A_50 = arith.constant 0 : i32
      %dma_wait3A_51 = tpu.memref_slice %arg6[%add3A_45, %dma_wait3A_50] : memref<81920x64xf32, #tpu.memory_space<hbm>> -> memref<512x64xf32, #tpu.memory_space<hbm>>
      %dma_wait3A_52 = arith.constant 0 : i32
      %dma_wait3A_53 = tpu.memref_slice %arg6[%add3A_45, %dma_wait3A_52] : memref<81920x64xf32, #tpu.memory_space<hbm>> -> memref<512x64xf32, #tpu.memory_space<hbm>>
      tpu.wait_dma2 semaphore(%run_scoped3A : memref<!tpu.dma_semaphore, #tpu.memory_space<semaphore_mem>>) src(%arg11 : memref<512x64xf32, #tpu.memory_space<vmem>>) dst(%dma_wait3A_53 : memref<512x64xf32, #tpu.memory_space<hbm>>)
      tpu.yield
    }) : () -> ()
    return
  }
}

module attributes {stable_mosaic.version = 14 : i64} {
  func.func @body(%arg0: i32, %arg1: i32, %arg2: memref<1x8x256x128xf32, #tpu.memory_space<vmem>>, %arg3: memref<1x8x256x128xf32, #tpu.memory_space<vmem>>, %arg4: memref<64x64xf32, #tpu.memory_space<vmem>>, %arg5: memref<64x1xf32, #tpu.memory_space<vmem>>, %arg6: memref<1x64x4096xf32, #tpu.memory_space<vmem>>, %arg7: memref<1x64x4096xf32, #tpu.memory_space<vmem>>, %arg8: memref<1x64x4096xf32, #tpu.memory_space<vmem>>, %arg9: memref<1x64x4096xf32, #tpu.memory_space<vmem>>, %arg10: memref<1x64x4096xf32, #tpu.memory_space<vmem>>, %arg11: memref<1x64x4096xf32, #tpu.memory_space<vmem>>, %arg12: memref<1x64x4096xf32, #tpu.memory_space<vmem>>, %arg13: memref<1x64x4096xf32, #tpu.memory_space<vmem>>) attributes {dimension_semantics = [#tpu.dimension_semantics<arbitrary>, #tpu.dimension_semantics<arbitrary>], iteration_bounds = array<i64: 20, 1>, scalar_prefetch = 0 : i64, scratch_operands = 0 : i64, tpu.core_type = #tpu.core_type<tc>, window_params = [{transform_indices = @transform_0, window_bounds = array<i64: 1, 8, 256, 128>}, {transform_indices = @transform_1, window_bounds = array<i64: 1, 8, 256, 128>}, {pipeline_mode = #tpu.pipeline_mode<synchronous>, transform_indices = @transform_2, window_bounds = array<i64: 64, 64>}, {pipeline_mode = #tpu.pipeline_mode<synchronous>, transform_indices = @transform_3, window_bounds = array<i64: 64, 1>}, {transform_indices = @transform_4, window_bounds = array<i64: 1, 64, 4096>}, {transform_indices = @transform_5, window_bounds = array<i64: 1, 64, 4096>}, {transform_indices = @transform_6, window_bounds = array<i64: 1, 64, 4096>}, {transform_indices = @transform_7, window_bounds = array<i64: 1, 64, 4096>}, {transform_indices = @transform_8, window_bounds = array<i64: 1, 64, 4096>}, {transform_indices = @transform_9, window_bounds = array<i64: 1, 64, 4096>}, {transform_indices = @transform_10, window_bounds = array<i64: 1, 64, 4096>}, {transform_indices = @transform_11, window_bounds = array<i64: 1, 64, 4096>}]} {
    %get3A = arith.constant 0 : index
    %get3A_0 = arith.constant 0 : index
    %get3A_1 = vector.load %arg4[%get3A, %get3A_0] : memref<64x64xf32, #tpu.memory_space<vmem>>, vector<64x64xf32>
    %get3A_2 = arith.constant 0 : index
    %get3A_3 = arith.constant 0 : index
    %get3A_4 = vector.load %arg5[%get3A_2, %get3A_3] : memref<64x1xf32, #tpu.memory_space<vmem>>, vector<64x1xf32>
    %get3A_5 = arith.constant 0 : index
    %get3A_6 = arith.constant 0 : index
    %get3A_7 = arith.constant 0 : index
    %get3A_8 = arith.constant 0 : index
    %get3A_9 = vector.load %arg2[%get3A_5, %get3A_6, %get3A_7, %get3A_8] : memref<1x8x256x128xf32, #tpu.memory_space<vmem>>, vector<1x1x256x128xf32>
    %get3A_10 = vector.shape_cast %get3A_9 : vector<1x1x256x128xf32> to vector<256x128xf32>
    %transpose3A = tpu.transpose %get3A_10, [1, 0] : vector<256x128xf32> -> vector<128x256xf32>
    %slice3A = vector.extract_strided_slice %transpose3A {offsets = [0, 0], sizes = [64, 256], strides = [1, 1]} : vector<128x256xf32> to vector<64x256xf32>
    %slice3A_11 = vector.extract_strided_slice %transpose3A {offsets = [64, 0], sizes = [64, 256], strides = [1, 1]} : vector<128x256xf32> to vector<64x256xf32>
    %get3A_12 = arith.constant 0 : index
    %get3A_13 = arith.constant 1 : index
    %get3A_14 = arith.constant 0 : index
    %get3A_15 = arith.constant 0 : index
    %get3A_16 = vector.load %arg2[%get3A_12, %get3A_13, %get3A_14, %get3A_15] : memref<1x8x256x128xf32, #tpu.memory_space<vmem>>, vector<1x1x256x128xf32>
    %get3A_17 = vector.shape_cast %get3A_16 : vector<1x1x256x128xf32> to vector<256x128xf32>
    %transpose3A_18 = tpu.transpose %get3A_17, [1, 0] : vector<256x128xf32> -> vector<128x256xf32>
    %slice3A_19 = vector.extract_strided_slice %transpose3A_18 {offsets = [0, 0], sizes = [64, 256], strides = [1, 1]} : vector<128x256xf32> to vector<64x256xf32>
    %slice3A_20 = vector.extract_strided_slice %transpose3A_18 {offsets = [64, 0], sizes = [64, 256], strides = [1, 1]} : vector<128x256xf32> to vector<64x256xf32>
    %get3A_21 = arith.constant 0 : index
    %get3A_22 = arith.constant 2 : index
    %get3A_23 = arith.constant 0 : index
    %get3A_24 = arith.constant 0 : index
    %get3A_25 = vector.load %arg2[%get3A_21, %get3A_22, %get3A_23, %get3A_24] : memref<1x8x256x128xf32, #tpu.memory_space<vmem>>, vector<1x1x256x128xf32>
    %get3A_26 = vector.shape_cast %get3A_25 : vector<1x1x256x128xf32> to vector<256x128xf32>
    %transpose3A_27 = tpu.transpose %get3A_26, [1, 0] : vector<256x128xf32> -> vector<128x256xf32>
    %slice3A_28 = vector.extract_strided_slice %transpose3A_27 {offsets = [0, 0], sizes = [64, 256], strides = [1, 1]} : vector<128x256xf32> to vector<64x256xf32>
    %slice3A_29 = vector.extract_strided_slice %transpose3A_27 {offsets = [64, 0], sizes = [64, 256], strides = [1, 1]} : vector<128x256xf32> to vector<64x256xf32>
    %get3A_30 = arith.constant 0 : index
    %get3A_31 = arith.constant 3 : index
    %get3A_32 = arith.constant 0 : index
    %get3A_33 = arith.constant 0 : index
    %get3A_34 = vector.load %arg2[%get3A_30, %get3A_31, %get3A_32, %get3A_33] : memref<1x8x256x128xf32, #tpu.memory_space<vmem>>, vector<1x1x256x128xf32>
    %get3A_35 = vector.shape_cast %get3A_34 : vector<1x1x256x128xf32> to vector<256x128xf32>
    %transpose3A_36 = tpu.transpose %get3A_35, [1, 0] : vector<256x128xf32> -> vector<128x256xf32>
    %slice3A_37 = vector.extract_strided_slice %transpose3A_36 {offsets = [0, 0], sizes = [64, 256], strides = [1, 1]} : vector<128x256xf32> to vector<64x256xf32>
    %slice3A_38 = vector.extract_strided_slice %transpose3A_36 {offsets = [64, 0], sizes = [64, 256], strides = [1, 1]} : vector<128x256xf32> to vector<64x256xf32>
    %get3A_39 = arith.constant 0 : index
    %get3A_40 = arith.constant 4 : index
    %get3A_41 = arith.constant 0 : index
    %get3A_42 = arith.constant 0 : index
    %get3A_43 = vector.load %arg2[%get3A_39, %get3A_40, %get3A_41, %get3A_42] : memref<1x8x256x128xf32, #tpu.memory_space<vmem>>, vector<1x1x256x128xf32>
    %get3A_44 = vector.shape_cast %get3A_43 : vector<1x1x256x128xf32> to vector<256x128xf32>
    %transpose3A_45 = tpu.transpose %get3A_44, [1, 0] : vector<256x128xf32> -> vector<128x256xf32>
    %slice3A_46 = vector.extract_strided_slice %transpose3A_45 {offsets = [0, 0], sizes = [64, 256], strides = [1, 1]} : vector<128x256xf32> to vector<64x256xf32>
    %slice3A_47 = vector.extract_strided_slice %transpose3A_45 {offsets = [64, 0], sizes = [64, 256], strides = [1, 1]} : vector<128x256xf32> to vector<64x256xf32>
    %get3A_48 = arith.constant 0 : index
    %get3A_49 = arith.constant 5 : index
    %get3A_50 = arith.constant 0 : index
    %get3A_51 = arith.constant 0 : index
    %get3A_52 = vector.load %arg2[%get3A_48, %get3A_49, %get3A_50, %get3A_51] : memref<1x8x256x128xf32, #tpu.memory_space<vmem>>, vector<1x1x256x128xf32>
    %get3A_53 = vector.shape_cast %get3A_52 : vector<1x1x256x128xf32> to vector<256x128xf32>
    %transpose3A_54 = tpu.transpose %get3A_53, [1, 0] : vector<256x128xf32> -> vector<128x256xf32>
    %slice3A_55 = vector.extract_strided_slice %transpose3A_54 {offsets = [0, 0], sizes = [64, 256], strides = [1, 1]} : vector<128x256xf32> to vector<64x256xf32>
    %slice3A_56 = vector.extract_strided_slice %transpose3A_54 {offsets = [64, 0], sizes = [64, 256], strides = [1, 1]} : vector<128x256xf32> to vector<64x256xf32>
    %get3A_57 = arith.constant 0 : index
    %get3A_58 = arith.constant 6 : index
    %get3A_59 = arith.constant 0 : index
    %get3A_60 = arith.constant 0 : index
    %get3A_61 = vector.load %arg2[%get3A_57, %get3A_58, %get3A_59, %get3A_60] : memref<1x8x256x128xf32, #tpu.memory_space<vmem>>, vector<1x1x256x128xf32>
    %get3A_62 = vector.shape_cast %get3A_61 : vector<1x1x256x128xf32> to vector<256x128xf32>
    %transpose3A_63 = tpu.transpose %get3A_62, [1, 0] : vector<256x128xf32> -> vector<128x256xf32>
    %slice3A_64 = vector.extract_strided_slice %transpose3A_63 {offsets = [0, 0], sizes = [64, 256], strides = [1, 1]} : vector<128x256xf32> to vector<64x256xf32>
    %slice3A_65 = vector.extract_strided_slice %transpose3A_63 {offsets = [64, 0], sizes = [64, 256], strides = [1, 1]} : vector<128x256xf32> to vector<64x256xf32>
    %get3A_66 = arith.constant 0 : index
    %get3A_67 = arith.constant 7 : index
    %get3A_68 = arith.constant 0 : index
    %get3A_69 = arith.constant 0 : index
    %get3A_70 = vector.load %arg2[%get3A_66, %get3A_67, %get3A_68, %get3A_69] : memref<1x8x256x128xf32, #tpu.memory_space<vmem>>, vector<1x1x256x128xf32>
    %get3A_71 = vector.shape_cast %get3A_70 : vector<1x1x256x128xf32> to vector<256x128xf32>
    %transpose3A_72 = tpu.transpose %get3A_71, [1, 0] : vector<256x128xf32> -> vector<128x256xf32>
    %slice3A_73 = vector.extract_strided_slice %transpose3A_72 {offsets = [0, 0], sizes = [64, 256], strides = [1, 1]} : vector<128x256xf32> to vector<64x256xf32>
    %slice3A_74 = vector.extract_strided_slice %transpose3A_72 {offsets = [64, 0], sizes = [64, 256], strides = [1, 1]} : vector<128x256xf32> to vector<64x256xf32>
    %concatenate3A = tpu.concatenate %slice3A, %slice3A_11, %slice3A_19, %slice3A_20, %slice3A_28, %slice3A_29, %slice3A_37, %slice3A_38, %slice3A_46, %slice3A_47, %slice3A_55, %slice3A_56, %slice3A_64, %slice3A_65, %slice3A_73, %slice3A_74 in 1 : vector<64x256xf32>, vector<64x256xf32>, vector<64x256xf32>, vector<64x256xf32>, vector<64x256xf32>, vector<64x256xf32>, vector<64x256xf32>, vector<64x256xf32>, vector<64x256xf32>, vector<64x256xf32>, vector<64x256xf32>, vector<64x256xf32>, vector<64x256xf32>, vector<64x256xf32>, vector<64x256xf32>, vector<64x256xf32> -> vector<64x4096xf32>
    %swap3A = arith.constant 0 : index
    %swap3A_75 = arith.constant 0 : index
    %swap3A_76 = arith.constant 0 : index
    %swap3A_77 = vector.load %arg6[%swap3A, %swap3A_75, %swap3A_76] : memref<1x64x4096xf32, #tpu.memory_space<vmem>>, vector<1x64x4096xf32>
    %swap3A_78 = vector.shape_cast %swap3A_77 : vector<1x64x4096xf32> to vector<64x4096xf32>
    %swap3A_79 = vector.shape_cast %concatenate3A : vector<64x4096xf32> to vector<1x64x4096xf32>
    tpu.vector_store %arg6[%swap3A, %swap3A_75, %swap3A_76], %swap3A_79 {strides = array<i32>} : memref<1x64x4096xf32, #tpu.memory_space<vmem>>, vector<1x64x4096xf32>,
    %swap3A_80 = arith.constant 0 : index
    %swap3A_81 = arith.constant 0 : index
    %swap3A_82 = arith.constant 0 : index
    %swap3A_83 = vector.load %arg7[%swap3A_80, %swap3A_81, %swap3A_82] : memref<1x64x4096xf32, #tpu.memory_space<vmem>>, vector<1x64x4096xf32>
    %swap3A_84 = vector.shape_cast %swap3A_83 : vector<1x64x4096xf32> to vector<64x4096xf32>
    %swap3A_85 = vector.shape_cast %concatenate3A : vector<64x4096xf32> to vector<1x64x4096xf32>
    tpu.vector_store %arg7[%swap3A_80, %swap3A_81, %swap3A_82], %swap3A_85 {strides = array<i32>} : memref<1x64x4096xf32, #tpu.memory_space<vmem>>, vector<1x64x4096xf32>,
    %max3A = arith.constant 0.000000e+00 : f32
    %max3A_86 = vector.broadcast %max3A : f32 to vector<64x4096xf32>
    %max3A_87 = arith.maximumf %concatenate3A, %max3A_86 : vector<64x4096xf32>
    %dot_general3A = arith.constant dense<0.000000e+00> : vector<64x4096xf32>
    %dot_general3A_88 = tpu.matmul %get3A_1, %max3A_87, %dot_general3A {dimension_numbers = #tpu.dot_dimension_numbers<[1], [0], [0], [1], [0, 0, 1, 1], [], []>, transpose_lhs_hint = false} : vector<64x64xf32>, vector<64x4096xf32>, vector<64x4096xf32> -> vector<64x4096xf32>
    %add3A = vector.broadcast %get3A_4 : vector<64x1xf32> to vector<64x4096xf32>
    %add3A_89 = arith.addf %dot_general3A_88, %add3A : vector<64x4096xf32>
    %swap3A_90 = arith.constant 0 : index
    %swap3A_91 = arith.constant 0 : index
    %swap3A_92 = arith.constant 0 : index
    %swap3A_93 = vector.load %arg10[%swap3A_90, %swap3A_91, %swap3A_92] : memref<1x64x4096xf32, #tpu.memory_space<vmem>>, vector<1x64x4096xf32>
    %swap3A_94 = vector.shape_cast %swap3A_93 : vector<1x64x4096xf32> to vector<64x4096xf32>
    %swap3A_95 = vector.shape_cast %add3A_89 : vector<64x4096xf32> to vector<1x64x4096xf32>
    tpu.vector_store %arg10[%swap3A_90, %swap3A_91, %swap3A_92], %swap3A_95 {strides = array<i32>} : memref<1x64x4096xf32, #tpu.memory_space<vmem>>, vector<1x64x4096xf32>,
    %swap3A_96 = arith.constant 0 : index
    %swap3A_97 = arith.constant 0 : index
    %swap3A_98 = arith.constant 0 : index
    %swap3A_99 = vector.load %arg11[%swap3A_96, %swap3A_97, %swap3A_98] : memref<1x64x4096xf32, #tpu.memory_space<vmem>>, vector<1x64x4096xf32>
    %swap3A_100 = vector.shape_cast %swap3A_99 : vector<1x64x4096xf32> to vector<64x4096xf32>
    %swap3A_101 = vector.shape_cast %add3A_89 : vector<64x4096xf32> to vector<1x64x4096xf32>
    tpu.vector_store %arg11[%swap3A_96, %swap3A_97, %swap3A_98], %swap3A_101 {strides = array<i32>} : memref<1x64x4096xf32, #tpu.memory_space<vmem>>, vector<1x64x4096xf32>,
    %get3A_102 = arith.constant 0 : index
    %get3A_103 = arith.constant 0 : index
    %get3A_104 = arith.constant 0 : index
    %get3A_105 = arith.constant 0 : index
    %get3A_106 = vector.load %arg3[%get3A_102, %get3A_103, %get3A_104, %get3A_105] : memref<1x8x256x128xf32, #tpu.memory_space<vmem>>, vector<1x1x256x128xf32>
    %get3A_107 = vector.shape_cast %get3A_106 : vector<1x1x256x128xf32> to vector<256x128xf32>
    %transpose3A_108 = tpu.transpose %get3A_107, [1, 0] : vector<256x128xf32> -> vector<128x256xf32>
    %slice3A_109 = vector.extract_strided_slice %transpose3A_108 {offsets = [0, 0], sizes = [64, 256], strides = [1, 1]} : vector<128x256xf32> to vector<64x256xf32>
    %slice3A_110 = vector.extract_strided_slice %transpose3A_108 {offsets = [64, 0], sizes = [64, 256], strides = [1, 1]} : vector<128x256xf32> to vector<64x256xf32>
    %get3A_111 = arith.constant 0 : index
    %get3A_112 = arith.constant 1 : index
    %get3A_113 = arith.constant 0 : index
    %get3A_114 = arith.constant 0 : index
    %get3A_115 = vector.load %arg3[%get3A_111, %get3A_112, %get3A_113, %get3A_114] : memref<1x8x256x128xf32, #tpu.memory_space<vmem>>, vector<1x1x256x128xf32>
    %get3A_116 = vector.shape_cast %get3A_115 : vector<1x1x256x128xf32> to vector<256x128xf32>
    %transpose3A_117 = tpu.transpose %get3A_116, [1, 0] : vector<256x128xf32> -> vector<128x256xf32>
    %slice3A_118 = vector.extract_strided_slice %transpose3A_117 {offsets = [0, 0], sizes = [64, 256], strides = [1, 1]} : vector<128x256xf32> to vector<64x256xf32>
    %slice3A_119 = vector.extract_strided_slice %transpose3A_117 {offsets = [64, 0], sizes = [64, 256], strides = [1, 1]} : vector<128x256xf32> to vector<64x256xf32>
    %get3A_120 = arith.constant 0 : index
    %get3A_121 = arith.constant 2 : index
    %get3A_122 = arith.constant 0 : index
    %get3A_123 = arith.constant 0 : index
    %get3A_124 = vector.load %arg3[%get3A_120, %get3A_121, %get3A_122, %get3A_123] : memref<1x8x256x128xf32, #tpu.memory_space<vmem>>, vector<1x1x256x128xf32>
    %get3A_125 = vector.shape_cast %get3A_124 : vector<1x1x256x128xf32> to vector<256x128xf32>
    %transpose3A_126 = tpu.transpose %get3A_125, [1, 0] : vector<256x128xf32> -> vector<128x256xf32>
    %slice3A_127 = vector.extract_strided_slice %transpose3A_126 {offsets = [0, 0], sizes = [64, 256], strides = [1, 1]} : vector<128x256xf32> to vector<64x256xf32>
    %slice3A_128 = vector.extract_strided_slice %transpose3A_126 {offsets = [64, 0], sizes = [64, 256], strides = [1, 1]} : vector<128x256xf32> to vector<64x256xf32>
    %get3A_129 = arith.constant 0 : index
    %get3A_130 = arith.constant 3 : index
    %get3A_131 = arith.constant 0 : index
    %get3A_132 = arith.constant 0 : index
    %get3A_133 = vector.load %arg3[%get3A_129, %get3A_130, %get3A_131, %get3A_132] : memref<1x8x256x128xf32, #tpu.memory_space<vmem>>, vector<1x1x256x128xf32>
    %get3A_134 = vector.shape_cast %get3A_133 : vector<1x1x256x128xf32> to vector<256x128xf32>
    %transpose3A_135 = tpu.transpose %get3A_134, [1, 0] : vector<256x128xf32> -> vector<128x256xf32>
    %slice3A_136 = vector.extract_strided_slice %transpose3A_135 {offsets = [0, 0], sizes = [64, 256], strides = [1, 1]} : vector<128x256xf32> to vector<64x256xf32>
    %slice3A_137 = vector.extract_strided_slice %transpose3A_135 {offsets = [64, 0], sizes = [64, 256], strides = [1, 1]} : vector<128x256xf32> to vector<64x256xf32>
    %get3A_138 = arith.constant 0 : index
    %get3A_139 = arith.constant 4 : index
    %get3A_140 = arith.constant 0 : index
    %get3A_141 = arith.constant 0 : index
    %get3A_142 = vector.load %arg3[%get3A_138, %get3A_139, %get3A_140, %get3A_141] : memref<1x8x256x128xf32, #tpu.memory_space<vmem>>, vector<1x1x256x128xf32>
    %get3A_143 = vector.shape_cast %get3A_142 : vector<1x1x256x128xf32> to vector<256x128xf32>
    %transpose3A_144 = tpu.transpose %get3A_143, [1, 0] : vector<256x128xf32> -> vector<128x256xf32>
    %slice3A_145 = vector.extract_strided_slice %transpose3A_144 {offsets = [0, 0], sizes = [64, 256], strides = [1, 1]} : vector<128x256xf32> to vector<64x256xf32>
    %slice3A_146 = vector.extract_strided_slice %transpose3A_144 {offsets = [64, 0], sizes = [64, 256], strides = [1, 1]} : vector<128x256xf32> to vector<64x256xf32>
    %get3A_147 = arith.constant 0 : index
    %get3A_148 = arith.constant 5 : index
    %get3A_149 = arith.constant 0 : index
    %get3A_150 = arith.constant 0 : index
    %get3A_151 = vector.load %arg3[%get3A_147, %get3A_148, %get3A_149, %get3A_150] : memref<1x8x256x128xf32, #tpu.memory_space<vmem>>, vector<1x1x256x128xf32>
    %get3A_152 = vector.shape_cast %get3A_151 : vector<1x1x256x128xf32> to vector<256x128xf32>
    %transpose3A_153 = tpu.transpose %get3A_152, [1, 0] : vector<256x128xf32> -> vector<128x256xf32>
    %slice3A_154 = vector.extract_strided_slice %transpose3A_153 {offsets = [0, 0], sizes = [64, 256], strides = [1, 1]} : vector<128x256xf32> to vector<64x256xf32>
    %slice3A_155 = vector.extract_strided_slice %transpose3A_153 {offsets = [64, 0], sizes = [64, 256], strides = [1, 1]} : vector<128x256xf32> to vector<64x256xf32>
    %get3A_156 = arith.constant 0 : index
    %get3A_157 = arith.constant 6 : index
    %get3A_158 = arith.constant 0 : index
    %get3A_159 = arith.constant 0 : index
    %get3A_160 = vector.load %arg3[%get3A_156, %get3A_157, %get3A_158, %get3A_159] : memref<1x8x256x128xf32, #tpu.memory_space<vmem>>, vector<1x1x256x128xf32>
    %get3A_161 = vector.shape_cast %get3A_160 : vector<1x1x256x128xf32> to vector<256x128xf32>
    %transpose3A_162 = tpu.transpose %get3A_161, [1, 0] : vector<256x128xf32> -> vector<128x256xf32>
    %slice3A_163 = vector.extract_strided_slice %transpose3A_162 {offsets = [0, 0], sizes = [64, 256], strides = [1, 1]} : vector<128x256xf32> to vector<64x256xf32>
    %slice3A_164 = vector.extract_strided_slice %transpose3A_162 {offsets = [64, 0], sizes = [64, 256], strides = [1, 1]} : vector<128x256xf32> to vector<64x256xf32>
    %get3A_165 = arith.constant 0 : index
    %get3A_166 = arith.constant 7 : index
    %get3A_167 = arith.constant 0 : index
    %get3A_168 = arith.constant 0 : index
    %get3A_169 = vector.load %arg3[%get3A_165, %get3A_166, %get3A_167, %get3A_168] : memref<1x8x256x128xf32, #tpu.memory_space<vmem>>, vector<1x1x256x128xf32>
    %get3A_170 = vector.shape_cast %get3A_169 : vector<1x1x256x128xf32> to vector<256x128xf32>
    %transpose3A_171 = tpu.transpose %get3A_170, [1, 0] : vector<256x128xf32> -> vector<128x256xf32>
    %slice3A_172 = vector.extract_strided_slice %transpose3A_171 {offsets = [0, 0], sizes = [64, 256], strides = [1, 1]} : vector<128x256xf32> to vector<64x256xf32>
    %slice3A_173 = vector.extract_strided_slice %transpose3A_171 {offsets = [64, 0], sizes = [64, 256], strides = [1, 1]} : vector<128x256xf32> to vector<64x256xf32>
    %concatenate3A_174 = tpu.concatenate %slice3A_109, %slice3A_110, %slice3A_118, %slice3A_119, %slice3A_127, %slice3A_128, %slice3A_136, %slice3A_137, %slice3A_145, %slice3A_146, %slice3A_154, %slice3A_155, %slice3A_163, %slice3A_164, %slice3A_172, %slice3A_173 in 1 : vector<64x256xf32>, vector<64x256xf32>, vector<64x256xf32>, vector<64x256xf32>, vector<64x256xf32>, vector<64x256xf32>, vector<64x256xf32>, vector<64x256xf32>, vector<64x256xf32>, vector<64x256xf32>, vector<64x256xf32>, vector<64x256xf32>, vector<64x256xf32>, vector<64x256xf32>, vector<64x256xf32>, vector<64x256xf32> -> vector<64x4096xf32>
    %swap3A_175 = arith.constant 0 : index
    %swap3A_176 = arith.constant 0 : index
    %swap3A_177 = arith.constant 0 : index
    %swap3A_178 = vector.load %arg8[%swap3A_175, %swap3A_176, %swap3A_177] : memref<1x64x4096xf32, #tpu.memory_space<vmem>>, vector<1x64x4096xf32>
    %swap3A_179 = vector.shape_cast %swap3A_178 : vector<1x64x4096xf32> to vector<64x4096xf32>
    %swap3A_180 = vector.shape_cast %concatenate3A_174 : vector<64x4096xf32> to vector<1x64x4096xf32>
    tpu.vector_store %arg8[%swap3A_175, %swap3A_176, %swap3A_177], %swap3A_180 {strides = array<i32>} : memref<1x64x4096xf32, #tpu.memory_space<vmem>>, vector<1x64x4096xf32>,
    %swap3A_181 = arith.constant 0 : index
    %swap3A_182 = arith.constant 0 : index
    %swap3A_183 = arith.constant 0 : index
    %swap3A_184 = vector.load %arg9[%swap3A_181, %swap3A_182, %swap3A_183] : memref<1x64x4096xf32, #tpu.memory_space<vmem>>, vector<1x64x4096xf32>
    %swap3A_185 = vector.shape_cast %swap3A_184 : vector<1x64x4096xf32> to vector<64x4096xf32>
    %swap3A_186 = vector.shape_cast %concatenate3A_174 : vector<64x4096xf32> to vector<1x64x4096xf32>
    tpu.vector_store %arg9[%swap3A_181, %swap3A_182, %swap3A_183], %swap3A_186 {strides = array<i32>} : memref<1x64x4096xf32, #tpu.memory_space<vmem>>, vector<1x64x4096xf32>,
    %max3A_187 = arith.constant 0.000000e+00 : f32
    %max3A_188 = vector.broadcast %max3A_187 : f32 to vector<64x4096xf32>
    %max3A_189 = arith.maximumf %concatenate3A_174, %max3A_188 : vector<64x4096xf32>
    %dot_general3A_190 = arith.constant dense<0.000000e+00> : vector<64x4096xf32>
    %dot_general3A_191 = tpu.matmul %get3A_1, %max3A_189, %dot_general3A_190 {dimension_numbers = #tpu.dot_dimension_numbers<[1], [0], [0], [1], [0, 0, 1, 1], [], []>, transpose_lhs_hint = false} : vector<64x64xf32>, vector<64x4096xf32>, vector<64x4096xf32> -> vector<64x4096xf32>
    %add3A_192 = vector.broadcast %get3A_4 : vector<64x1xf32> to vector<64x4096xf32>
    %add3A_193 = arith.addf %dot_general3A_191, %add3A_192 : vector<64x4096xf32>
    %swap3A_194 = arith.constant 0 : index
    %swap3A_195 = arith.constant 0 : index
    %swap3A_196 = arith.constant 0 : index
    %swap3A_197 = vector.load %arg12[%swap3A_194, %swap3A_195, %swap3A_196] : memref<1x64x4096xf32, #tpu.memory_space<vmem>>, vector<1x64x4096xf32>
    %swap3A_198 = vector.shape_cast %swap3A_197 : vector<1x64x4096xf32> to vector<64x4096xf32>
    %swap3A_199 = vector.shape_cast %add3A_193 : vector<64x4096xf32> to vector<1x64x4096xf32>
    tpu.vector_store %arg12[%swap3A_194, %swap3A_195, %swap3A_196], %swap3A_199 {strides = array<i32>} : memref<1x64x4096xf32, #tpu.memory_space<vmem>>, vector<1x64x4096xf32>,
    %swap3A_200 = arith.constant 0 : index
    %swap3A_201 = arith.constant 0 : index
    %swap3A_202 = arith.constant 0 : index
    %swap3A_203 = vector.load %arg13[%swap3A_200, %swap3A_201, %swap3A_202] : memref<1x64x4096xf32, #tpu.memory_space<vmem>>, vector<1x64x4096xf32>
    %swap3A_204 = vector.shape_cast %swap3A_203 : vector<1x64x4096xf32> to vector<64x4096xf32>
    %swap3A_205 = vector.shape_cast %add3A_193 : vector<64x4096xf32> to vector<1x64x4096xf32>
    tpu.vector_store %arg13[%swap3A_200, %swap3A_201, %swap3A_202], %swap3A_205 {strides = array<i32>} : memref<1x64x4096xf32, #tpu.memory_space<vmem>>, vector<1x64x4096xf32>,
    return
  }
  func.func @transform_0(%arg0: i32, %arg1: i32) -> (i32, i32, i32, i32) {
    %c0_i32 = arith.constant 0 : i32
    %c0_i32_0 = arith.constant 0 : i32
    %c0_i32_1 = arith.constant 0 : i32
    return %arg0, %arg1, %c0_i32, %c0_i32_0 : i32, i32, i32, i32
  }
  func.func @transform_1(%arg0: i32, %arg1: i32) -> (i32, i32, i32, i32) {
    %c0_i32 = arith.constant 0 : i32
    %c0_i32_0 = arith.constant 0 : i32
    %c0_i32_1 = arith.constant 0 : i32
    return %arg0, %arg1, %c0_i32, %c0_i32_0 : i32, i32, i32, i32
  }
  func.func @transform_2(%arg0: i32, %arg1: i32) -> (i32, i32) {
    %c0_i32 = arith.constant 0 : i32
    %c0_i32_0 = arith.constant 0 : i32
    %c0_i32_1 = arith.constant 0 : i32
    return %c0_i32, %c0_i32_0 : i32, i32
  }
  func.func @transform_3(%arg0: i32, %arg1: i32) -> (i32, i32) {
    %c0_i32 = arith.constant 0 : i32
    %c0_i32_0 = arith.constant 0 : i32
    %c0_i32_1 = arith.constant 0 : i32
    return %c0_i32, %c0_i32_0 : i32, i32
  }
  func.func @transform_4(%arg0: i32, %arg1: i32) -> (i32, i32, i32) {
    %c0_i32 = arith.constant 0 : i32
    %c0_i32_0 = arith.constant 0 : i32
    return %arg0, %c0_i32, %arg1 : i32, i32, i32
  }
  func.func @transform_5(%arg0: i32, %arg1: i32) -> (i32, i32, i32) {
    %c0_i32 = arith.constant 0 : i32
    %c0_i32_0 = arith.constant 0 : i32
    return %arg0, %c0_i32, %arg1 : i32, i32, i32
  }
  func.func @transform_6(%arg0: i32, %arg1: i32) -> (i32, i32, i32) {
    %c0_i32 = arith.constant 0 : i32
    %c0_i32_0 = arith.constant 0 : i32
    return %arg0, %c0_i32, %arg1 : i32, i32, i32
  }
  func.func @transform_7(%arg0: i32, %arg1: i32) -> (i32, i32, i32) {
    %c0_i32 = arith.constant 0 : i32
    %c0_i32_0 = arith.constant 0 : i32
    return %arg0, %c0_i32, %arg1 : i32, i32, i32
  }
  func.func @transform_8(%arg0: i32, %arg1: i32) -> (i32, i32, i32) {
    %c0_i32 = arith.constant 0 : i32
    %c0_i32_0 = arith.constant 0 : i32
    return %arg0, %c0_i32, %arg1 : i32, i32, i32
  }
  func.func @transform_9(%arg0: i32, %arg1: i32) -> (i32, i32, i32) {
    %c0_i32 = arith.constant 0 : i32
    %c0_i32_0 = arith.constant 0 : i32
    return %arg0, %c0_i32, %arg1 : i32, i32, i32
  }
  func.func @transform_10(%arg0: i32, %arg1: i32) -> (i32, i32, i32) {
    %c0_i32 = arith.constant 0 : i32
    %c0_i32_0 = arith.constant 0 : i32
    return %arg0, %c0_i32, %arg1 : i32, i32, i32
  }
  func.func @transform_11(%arg0: i32, %arg1: i32) -> (i32, i32, i32) {
    %c0_i32 = arith.constant 0 : i32
    %c0_i32_0 = arith.constant 0 : i32
    return %arg0, %c0_i32, %arg1 : i32, i32, i32
  }
}

module attributes {stable_mosaic.version = 14 : i64} {
  func.func @body(%arg0: i32, %arg1: memref<64x16384xf32, #tpu.memory_space<vmem>>, %arg2: memref<8192x128xf32, #tpu.memory_space<vmem>>) attributes {dimension_semantics = [#tpu.dimension_semantics<arbitrary>], iteration_bounds = array<i64: 62>, scalar_prefetch = 0 : i64, scratch_operands = 0 : i64, tpu.core_type = #tpu.core_type<tc>, window_params = [{transform_indices = @transform_0, window_bounds = array<i64: 64, 16384>}, {transform_indices = @transform_1, window_bounds = array<i64: 8192, 128>}]} {
    %get3A = arith.constant 0 : index
    %get3A_0 = arith.constant 0 : index
    %get3A_1 = vector.load %arg1[%get3A, %get3A_0] : memref<64x16384xf32, #tpu.memory_space<vmem>>, vector<64x16384xf32>
    %slice3A = vector.extract_strided_slice %get3A_1 {offsets = [0, 0], sizes = [64, 8192], strides = [1, 1]} : vector<64x16384xf32> to vector<64x8192xf32>
    %transpose3A = tpu.transpose %slice3A, [1, 0] : vector<64x8192xf32> -> vector<8192x64xf32>
    %iota3A = tpu.iota {dimensions = array<i32: 0>} : vector<64x64xi32>
    %iota3A_2 = tpu.iota {dimensions = array<i32: 1>} : vector<64x64xi32>
    %eq3A = arith.cmpi eq, %iota3A, %iota3A_2 : vector<64x64xi32>
    %convert_element_type3A = arith.extui %eq3A : vector<64x64xi1> to vector<64x64xi32>
    %convert_element_type3A_3 = arith.sitofp %convert_element_type3A : vector<64x64xi32> to vector<64x64xf32>
    %slice3A_4 = vector.extract_strided_slice %get3A_1 {offsets = [0, 8192], sizes = [64, 8192], strides = [1, 1]} : vector<64x16384xf32> to vector<64x8192xf32>
    %dot_general3A = arith.constant dense<0.000000e+00> : vector<8192x64xf32>
    %dot_general3A_5 = tpu.matmul %slice3A_4, %convert_element_type3A_3, %dot_general3A {dimension_numbers = #tpu.dot_dimension_numbers<[0], [0], [1], [1], [0, 1, 1, 1], [], []>, transpose_lhs_hint = false} : vector<64x8192xf32>, vector<64x64xf32>, vector<8192x64xf32> -> vector<8192x64xf32>
    %concatenate3A = tpu.concatenate %transpose3A, %dot_general3A_5 in 1 : vector<8192x64xf32>, vector<8192x64xf32> -> vector<8192x128xf32>
    %swap3A = arith.constant 0 : index
    %swap3A_6 = arith.constant 0 : index
    %swap3A_7 = vector.load %arg2[%swap3A, %swap3A_6] : memref<8192x128xf32, #tpu.memory_space<vmem>>, vector<8192x128xf32>
    tpu.vector_store %arg2[%swap3A, %swap3A_6], %concatenate3A {strides = array<i32>} : memref<8192x128xf32, #tpu.memory_space<vmem>>, vector<8192x128xf32>,
    return
  }
  func.func @transform_0(%arg0: i32) -> (i32, i32) {
    %c0_i32 = arith.constant 0 : i32
    %c0_i32_0 = arith.constant 0 : i32
    return %c0_i32, %arg0 : i32, i32
  }
  func.func @transform_1(%arg0: i32) -> (i32, i32) {
    %c0_i32 = arith.constant 0 : i32
    %c0_i32_0 = arith.constant 0 : i32
    return %arg0, %c0_i32 : i32, i32
  }
}

</mosaic_0001>

<sc_bundles>
// kernel: kernel.5.cloned.1.call-start
scs
__scs_entry_jumppad:
0x0: {  	(pc) =	sbr.rel $0x88, $3  }
0x1: {  	(tag) =	ssettag $0x0;
	lr =	simm.s32 $0x1  }
0x2: {  	[smem:$0x3F9C] =	sst lr;
	_ =	strace $0xD0000000  }
0x3: {  	_ = 	snop  }
0x4: {  	_ = 	snop  }
0x5: {  	_ = 	snop  }
0x6: {  	_ = 	snop  }
0x7: {  	_ = 	snop  }
__scs_overlays_trampoline_lowered:
0x8: {  	[smem:$0x3FAB] =	sst s0  }
0x9: {  	[smem:$0x3FAC] =	sst s1  }
0xa: {  	[smem:$0x3FAD] =	sst s2  }
0xb: {  	[smem:$0x3FAE] =	sst s3  }
0xc: {  	[smem:$0x3FAF] =	sst s4  }
0xd: {  	[smem:$0x3FB0] =	sst s5  }
0xe: {  	[smem:$0x3FB1] =	sst s6  }
0xf: {  	[smem:$0x3FB2] =	sst s7  }
0x10: {  	[smem:$0x3FB3] =	sst s8  }
0x11: {  	[smem:$0x3FB4] =	sst s9;
	s0 =	simm.s32 @!p0 $0x0  }
0x12: {  	s1 =	sld [smem:$0x3F9A];
	s0 =	simm.s32 @p0 $0x1  }
0x13: {  	[smem:$0x3FB5] =	sst s0;
	s0 =	simm.s32 @!p1 $0x0  }
0x14: {  	s2 =	sld [smem:$0x3F99];
	s0 =	simm.s32 @p1 $0x1  }
0x15: {  	[smem:$0x3FB6] =	sst s0;
	s0 =	simm.s32 @!p2 $0x0  }
0x16: {  	s3 =	sld [smem:$0x3FDB];
	s0 =	simm.s32 @p2 $0x1  }
0x17: {  	s4 =	simm.s32 $0x1BF5;
	[smem:$0x3FB8] =	sst s0  }
0x18: {  	s0 =	sld [smem:$0x3F9B];
	_ =	swait.ge [sflag:s4], $0x0  }
0x19: {  	s7 =	sld [smem:$0x3F9C]  }
0x1a: {  	s8 =	sadd.s32 $0xFFFFE003, lr  }
0x1b: {  	s9 =	sadd.s32 $0xFFFFFEF7, lr;
	s5 =	simm.s32 $0xFFFFFFFF;
	p2 =	slt.u32 s8, $0xFFFFF086  }
0x1c: {  	p1 =	slt.u32 s9, $0xF7A;
	s5 =	simm.s32 @!p2 $0x0  }
0x1d: {  	s5 =	simm.s32 @p1 $0x1;
	p0 =	seq.s32 s7, s2  }
0x1e: {  	s7 =	smul.u32 @!p0 $0xF7A, s2;
	p2 =	seq.s32 @!p0 s5, $0x0  }
0x1f: {  	s9 =	smul.u32 $0xF7A, s1;
	s8 =	simm.s32 @!p0 $0x1BF5;
	p2 =	por !p2, p0  }
0x20: {  	[sflag:s8] =	ssyncset.s32 @!p0 $0xFFFFF086;
	s6 =	sadd.s32 @!p0 s3, s7;
	s7 =	simm.s32 @!p0 $0x108  }
0x21: {  	s3 =	sadd.s32 s3, s9;
	s6 =	sadd.s32 @!p0 $0x88, s6;
	s7 =	simm.s32 @p2 $0x1082  }
0x22: {  	[simem:s7], [sflag:s8] =	dma.local @!p0 [hbm:s6], $0xF7A  }
0x23: {  	s9 =	sor.u32 $0xD0000000, s2;
	s6 =	simm.s32 $0x108;
	_ =	swait.ge @!p0 [sflag:s8], $0x0  }
0x24: {  	s3 =	sadd.s32 $0x88, s3;
	s6 =	simm.s32 @!p1 $0x1082;
	[sflag:s4] =	ssyncset.s32 $0xFFFFF086  }
0x25: {  	[simem:s6], [sflag:s4] =	dma.local [hbm:s3], $0xF7A  }
0x26: {  	[smem:$0x3F9C] =	sst s1;
	(tag) =	ssettag s2;
	_ =	strace s9  }
0x27: {  	s1 =	sld [smem:$0x3FAC]  }
0x28: {  	s2 =	sld [smem:$0x3FAD]  }
0x29: {  	s4 =	sld [smem:$0x3FAF]  }
0x2a: {  	p0 =	seq.s32 s5, $0x0;
	s5 =	sld [smem:$0x3FB0]  }
0x2b: {  	s6 =	sld [smem:$0x3FB1]  }
0x2c: {  	s7 =	sld [smem:$0x3FB2]  }
0x2d: {  	s3 =	simm.s32 $0x108;
	s8 =	sld [smem:$0x3FB3]  }
0x2e: {  	s3 =	simm.s32 @!p0 $0x1082;
	s9 =	sld [smem:$0x3FB4]  }
0x2f: {  	lr =	sadd.s32 s0, s3;
	s0 =	sld [smem:$0x3FAB]  }
0x30: {  	s3 =	sld [smem:$0x3FAE]  }
0x31: {  	[smem:$0x3FB7] =	sst s10  }
0x32: {  	s10 =	sld [smem:$0x3FB5];
	_ =	sdelay $0x3  }
0x33: {  	p0 =	seq.s32 s10, $0x1;
	s10 =	sld [smem:$0x3FB7];
	_ =	sdelay $0x3  }
0x34: {  	[smem:$0x3FB7] =	sst s10  }
0x35: {  	s10 =	sld [smem:$0x3FB6];
	_ =	sdelay $0x3  }
0x36: {  	p1 =	seq.s32 s10, $0x1;
	s10 =	sld [smem:$0x3FB7];
	_ =	sdelay $0x3  }
0x37: {  	[smem:$0x3FB7] =	sst s10  }
0x38: {  	s10 =	sld [smem:$0x3FB8]  }
0x39: {  	_ = 	snop;
	(pc) =	sbr.ind lr, $3  }
0x3a: {  	_ = 	snop  }
0x3b: {  	_ = 	snop  }
0x3c: {  	p2 =	seq.s32 s10, $0x1;
	s10 =	sld [smem:$0x3FB7]  }
0x3d: {  	_ =	shalt  }
0x3e: {  	_ =	shalt  }
0x3f: {  	_ =	shalt  }
0x40: {  	_ =	shalt  }
0x41: {  	_ =	shalt  }
0x42: {  	_ =	shalt  }
0x43: {  	_ =	shalt  }
0x44: {  	_ =	shalt  }
0x45: {  	_ =	shalt  }
0x46: {  	_ =	shalt  }
0x47: {  	_ =	shalt  }
0x48: {  	_ =	shalt  }
0x49: {  	_ =	shalt  }
0x4a: {  	_ =	shalt  }
0x4b: {  	_ =	shalt  }
0x4c: {  	_ =	shalt  }
0x4d: {  	_ =	shalt  }
0x4e: {  	_ =	shalt  }
0x4f: {  	_ =	shalt  }
0x50: {  	_ =	shalt  }
0x51: {  	_ =	shalt  }
0x52: {  	_ =	shalt  }
0x53: {  	_ =	shalt  }
0x54: {  	_ =	shalt  }
0x55: {  	_ =	shalt  }
0x56: {  	_ =	shalt  }
0x57: {  	_ =	shalt  }
0x58: {  	_ =	shalt  }
0x59: {  	_ =	shalt  }
0x5a: {  	_ =	shalt  }
0x5b: {  	_ =	shalt  }
0x5c: {  	_ =	shalt  }
0x5d: {  	_ =	shalt  }
0x5e: {  	_ =	shalt  }
0x5f: {  	_ =	shalt  }
0x60: {  	_ =	shalt  }
0x61: {  	_ =	shalt  }
0x62: {  	_ =	shalt  }
0x63: {  	_ =	shalt  }
0x64: {  	_ =	shalt  }
0x65: {  	_ =	shalt  }
0x66: {  	_ =	shalt  }
0x67: {  	_ =	shalt  }
0x68: {  	_ =	shalt  }
0x69: {  	_ =	shalt  }
0x6a: {  	_ =	shalt  }
0x6b: {  	_ =	shalt  }
0x6c: {  	_ =	shalt  }
0x6d: {  	_ =	shalt  }
0x6e: {  	_ =	shalt  }
0x6f: {  	_ =	shalt  }
0x70: {  	_ =	shalt  }
0x71: {  	_ =	shalt  }
0x72: {  	_ =	shalt  }
0x73: {  	_ =	shalt  }
0x74: {  	_ =	shalt  }
0x75: {  	_ =	shalt  }
0x76: {  	_ =	shalt  }
0x77: {  	_ =	shalt  }
0x78: {  	_ =	shalt  }
0x79: {  	_ =	shalt  }
0x7a: {  	_ =	shalt  }
0x7b: {  	_ =	shalt  }
0x7c: {  	_ =	shalt  }
0x7d: {  	_ =	shalt  }
0x7e: {  	_ =	shalt  }
0x7f: {  	_ =	shalt  }
0x80: {  	_ =	shalt  }
0x81: {  	_ =	shalt  }
0x82: {  	_ =	shalt  }
0x83: {  	_ =	shalt  }
0x84: {  	_ =	shalt  }
0x85: {  	_ =	shalt  }
0x86: {  	_ =	shalt  }
0x87: {  	_ =	shalt  }
.Lfunc_end0:
.L_simem_size_0:
called_computation_lowered:
.L_overlay_start_0:
0x88: {  	s2 =	sld [smem:$0x3FD9]  }
0x89: {  	s3 =	sld [smem:$0x3FFE];
	_ =	sdelay $0x1  }
0x8a: {  	s1 =	srdreg.scid  }
0x8b: {  	s0 =	sand.u32 $0x1, s1  }
0x8c: {  	s14 =	sshll.u32 s0, $0xA;
	s2 =	sadd.s32 s3, s2  }
0x8d: {  	s2 =	sadd.s32 s2, s14  }
0x8e: {  	[smem:$0x3FC3] =	sst s2  }
0x8f: {  	_ = 	snop  }
0x90: {  	s2 =	sld [smem:$0x3FD0];
	_ =	sdelay $0x2  }
0x91: {  	s15 =	simm.s32 $0xA;
	s4 =	simm.s32 $0x10  }
0x92: {  	[smem:s4], [sflag:s15] =	dma.local [hbm:s2], $0x1  }
0x93: {  	_ =	swait.eq [sflag:s15], $0x1  }
0x94: {  	s16 =	sld [smem:$0x13];
	[sflag:s15] =	ssyncset.done $0x0  }
0x95: {  	s17 =	sld [smem:$0x16];
	[sflag:s15] =	ssyncadd.s32 $0xFFFFFFFF  }
0x96: {  	s18 =	sld [smem:$0x17];
	(tm) =	ssettm $0x1  }
0x97: {  	s5 =	sld [smem:$0x3FFB];
	_ =	sdelay $0x3  }
0x98: {  	_ =	strace s5  }
0x99: {  	s5 =	sld [smem:$0x3FFC];
	_ =	sdelay $0x3  }
0x9a: {  	_ =	strace s5  }
0x9b: {  	s5 =	sld [smem:$0x3FFD];
	_ =	sdelay $0x3  }
0x9c: {  	_ =	strace s5  }
0x9d: {  	_ =	strace $0x8FFFFFFF  }
0x9e: {  	s19 =	sld [smem:$0x3FDB];
	_ =	sdelay $0x1  }
0x9f: {  	s6 =	simm.s32 $_scs_section_size  }
0xa0: {  	s7 =	simm.s32 $_size__tile_overlayer_lowered;
	s8 =	simm.s32 $_tile_overlayer_lowered  }
0xa1: {  	s22 =	simm.s32 $0x1BFF;
	s21 =	sshll.u32 s8, $0x1;
	s5 =	sadd.s32 s6, s19  }
0xa2: {  	s9 =	simm.s32 $0x0;
	s20 =	sshll.u32 s7, $0x1;
	s7 =	sadd.s32 s21, s5  }
0xa3: {  	[timem:s9], [sflag:s22] =	dma.local [hbm:s7], s20  }
0xa4: {  	_ =	swait.ge [sflag:s22], s20  }
0xa5: {  	s6 =	ssub.s32 $0x0, s20;
	[sflag:s22] =	ssyncset.done $0x0  }
0xa6: {  	[sflag:s22] =	ssyncadd.s32 s6;
	_ =	sdelay $0x1  }
0xa7: {  	s23 =	simm.s32 $0x1B8B  }
0xa8: {  	_ =	swait.ge [sflag:s23], $0x1  }
0xa9: {  	[sflag:s23] =	ssyncset.done $0x0  }
0xaa: {  	s25 =	simm.s32 $0x1B8E;
	s24 =	sld [smem:$0x3FFE];
	[sflag:s23] =	ssyncadd.s32 $0xFFFFFFFF  }
0xab: {  	s26 =	simm.s32 $execute0_lowered;
	[smem:$0x3FD2] =	sst s25  }
0xac: {  	s7 =	sshll.u32 s26, $0x1;
	_ =	strace $0x80000046;
	[dreg:$0x1] =	wrdreg $0xFFFFFFFF  }
0xad: {  	s28 =	simm.s32 $_size_execute0_lowered;
	s5 =	sadd.s32 s5, s7;
	[dreg:$0x0] =	wrdreg $0x0  }
0xae: {  	s7 =	sshll.u32 s28, $0x1;
	[dreg:$0x2] =	wrdreg s5  }
0xaf: {  	[dreg:$0x3] =	wrdreg s7  }
0xb0: {  	[dreg:$0x4] =	wrdreg $0xC0  }
0xb1: {  	_ =	task [dreg:s9], $0x5FFFF  }
0xb2: {  	[dreg:$0x1] =	wrdreg $0xFFFFFFFF  }
0xb3: {  	[dreg:$0x0] =	wrdreg $0x60  }
0xb4: {  	[dreg:$0x2] =	wrdreg s16  }
0xb5: {  	[dreg:$0x3] =	wrdreg s17  }
0xb6: {  	[dreg:$0x4] =	wrdreg s24  }
0xb7: {  	[dreg:$0x5] =	wrdreg s18  }
0xb8: {  	[dreg:$0x6] =	wrdreg $0x9  }
0xb9: {  	_ =	task.clear_ibuf [dreg:s9], $0x7FFFF;
	_ =	strace $0x90000046  }
0xba: {  	s29 =	simm.s32 $0x9;
	_ =	strace $0x80000048  }
0xbb: {  	_ =	swait.ge [sflag:s29], $0x1  }
0xbc: {  	[sflag:s29] =	ssyncadd.s32 $0xFFFFFFFF  }
0xbd: {  	_ =	strace $0x90000048  }
0xbe: {  	_ =	sfence  }
0xbf: {  	s30 =	sld [smem:$0x0];
	_ =	sdelay $0x2  }
0xc0: {  	s31 =	sshll.u32 s1, $0xD;
	s1 =	sshrl.u32 s1, $0x2  }
0xc1: {  	s3 =	sand.u32 $0x4000, s31;
	s1 =	sadd.s32 s1, s30  }
0xc2: {  	s0 =	sor.u32 s3, s0;
	s1 =	sshll.u32 s1, $0x11  }
0xc3: {  	s0 =	sor.u32 s1, s0  }
0xc4: {  	s0 =	sadd.s32 $0x8F2B, s0  }
0xc5: {  	[sflag:s0] =	ssyncadd.remote.s32 $0x1  }
0xc6: {  	_ =	sfence.sel $0xFFFF  }
0xc7: {  	[dreg:$0x0] =	wrdreg $0xFFFFFFFF;
	(pc) =	sbr.abs _section_cstart, $3  }
0xc8: {  	[dreg:$0x1] =	wrdreg $0xFFFFFFFF  }
0xc9: {  	_ =	task.clear_ibuf [dreg:s9], $0x2FFFF;
	_ =	strace $0x9FFFFFFF  }
0xca: {  	(tm) =	ssettm $0x7FFFFFFF  }
0xcb: {  	_ =	shalt  }
tec
execute0_lowered:
.L_overlay_start_1:
0x0: {  	(tag) =	ssettag $0x1  }
0x1: {  	s0 =	rddreg [dreg:$0x0]  }
0x2: {  	s1 =	rddreg [dreg:$0x1]  }
0x3: {  	s4 =	rddreg [dreg:$0x2]  }
0x4: {  	s12 =	rddreg [dreg:$0x3];
	s3 =	srdreg.scid  }
0x5: {  	s5 =	stileid.u32;
	s2 =	simm.s32 $0x0;
	s18 =	simm.s32 $0xA00  }
0x6: {  	s19 =	simm.s32 $0x200;
	s20 =	simm.s32 $0x1400;
	s21 =	simm.s32 $0x2800  }
0x7: {  	s22 =	simm.s32 $0x1;
	s24 =	simm.s32 $0xA800;
	s25 =	simm.s32 $0x2  }
0x8: {  	s23 =	simm.s32 $0x2600;
	s3 =	sand.u32 $0x1, s3;
	s5 =	sshll.u32 s5, $0x1  }
0x9: {  	s26 =	simm.s32 $0x0;
	[smem:$0x7FF] =	sst s2;
	s5 =	sor.u32 s3, s5  }
0xa: {  	s16 =	sadd.s32 $0x7C1400, s4;
	s6 =	ssub.s32 $0x2, s3;
	s7 =	smul.u32 $0x28000, s5  }
0xb: {  	_ =	strace $0x80000047;
	s8 =	sshrl.u32 s6, $0x1;
	s9 =	smul.u32 $0x140, s5  }
0xc: {  	s3 =	sadd.s32 $0x1400, s4;
	s11 =	smul.u32 $0x5000, s5;
	s8 =	ssub.s32 s6, s8  }
0xd: {  	s13 =	sshrl.u32 s7, $0x3;
	s4 =	sadd.s32 s0, s9;
	s5 =	sadd.s32 s1, s9  }
0xe: {  	s8 =	smax.u32 s8, $0x1;
	s30 =	sadd.s32 $0x1000, s11;
	s17 =	sadd.s32 $0x3000, s11  }
0xf: {  	s0 =	simm.s32 $0x2200;
	s1 =	simm.s32 $0x2400;
	s29 =	sadd.s32 $0x4000, s13  }
0x10: {  	s9 =	sadd.s32 s12, s13;
	s10 =	sadd.s32 s12, s30;
	s31 =	sadd.s32 $0x2000, s13  }
0x11: {  	v0 =	vlaneseq.u32;
	s13 =	sadd.s32 s16, s13;
	s14 =	sadd.s32 s16, s30;
	s6 =	sadd.s32 s12, s29  }
0x12: {  	v1 =	vand.u32 $0x1, v0;
	s7 =	sadd.s32 s16, s29;
	s11 =	sadd.s32 s12, s31;
	s12 =	sadd.s32 s12, s17  }
0x13: {  	v1 =	vmul.u32 $0x100, v1;
	s15 =	sadd.s32 s16, s31;
	s16 =	sadd.s32 s16, s17;
	s17 =	simm.s32 $0x3  }
.LBB2_1:
0x14: {  	v2 =	vor.u32 s2, v0  }
0x15: {  	[tilespmem:s2], [sflag:$0x3] =	stream.linear.gather [hbm4b:s4+s2], $0xA00, $0x38;
	v3 =	vmov s2;
	v2 =	vshrl.u32 v2, $0x1;
	[tilespmem:$0x12800] =	vst v63  }
0x16: {  	_ =	swait.ge [sflag:s17], $0xA00;
	v3 =	vand.u32 $0xE00, v3;
	v2 =	vand.u32 $0xFF, v2  }
0x17: {  	[sflag:s17] =	ssyncset.done $0x0;
	v2 =	vor.u32 v2, v3  }
0x18: {  	[sflag:s17] =	ssyncadd.s32 $0xFFFFF600;
	v2 =	vor.u32 v1, v2  }
0x19: {  	[tilespmem:s18], [sflag:$0x3] =	stream.linear.gather [hbm4b:s5+s2], $0xA00, $0x38;
	[tilespmem:$0x12800] =	vst v63  }
0x1a: {  	_ =	swait.ge [sflag:s17], $0xA00  }
0x1b: {  	[sflag:s17] =	ssyncset.done $0x0  }
0x1c: {  	[sflag:s17] =	ssyncadd.s32 $0xFFFFF600  }
0x1d: {  	s28 =	simm.s32 $0x10;
	v2 =	vld.idx.msk [tilespmem:v2+s2+$0x0], $0xffff  }
0x1e: {  	v3 =	vor.u32 s28, v0  }
0x1f: {  	v4 =	vmov s28;
	v3 =	vshrl.u32 v3, $0x1  }
0x20: {  	v4 =	vand.u32 $0xE00, v4;
	v3 =	vand.u32 $0xFF, v3  }
0x21: {  	v3 =	vor.u32 v3, v4  }
0x22: {  	v3 =	vor.u32 v1, v3;
	v4 =	vshll.u32 v2, $0x1  }
0x23: {  	v5 =	vand.u32 $0xFFFFC000, v2;
	v2 =	vshrl.u32 v2, $0xD;
	v4 =	vand.u32 $0x3FFE, v4  }
0x24: {  	v2 =	vand.u32 $0x1, v2;
	v4 =	vor.u32 v5, v4  }
0x25: {  	v2 =	vor.u32 v2, v4  }
0x26: {  	[tilespmem:s20+$0x0] =	vst v2  }
0x27: {  	s30 =	simm.s32 $0x20;
	v2 =	vld.idx.msk [tilespmem:v3+s2+$0x0], $0xffff  }
0x28: {  	s31 =	simm.s32 $0x30;
	s28 =	simm.s32 $0x1400;
	v3 =	vor.u32 s30, v0  }
.LBB2_2:
0x29: {  	p0 =	sne.s32 s31, $0x9F0;
	v4 =	vmov s30;
	v3 =	vshrl.u32 v3, $0x1;
	s30 =	smov.u32 s31  }
0x2a: {  	v4 =	vand.u32 $0xE00, v4;
	v3 =	vand.u32 $0xFF, v3  }
0x2b: {  	v3 =	vor.u32 v3, v4  }
0x2c: {  	v4 =	vshll.u32 v2, $0x1;
	v3 =	vor.u32 v1, v3  }
0x2d: {  	v5 =	vand.u32 $0xFFFFC000, v2;
	v2 =	vshrl.u32 v2, $0xD;
	v4 =	vand.u32 $0x3FFE, v4  }
0x2e: {  	v2 =	vand.u32 $0x1, v2;
	v4 =	vor.u32 v5, v4  }
.Ltmp0:
0x2f: {  	s28 =	sadd.s32 $0x10, s28;
	v2 =	vor.u32 v2, v4;
	(pc) =	sbr.rel @p0 .LBB2_2-.Ltmp0, $3  }
0x30: {  	s29 =	simm.s32 $0x0;
	[tilespmem:s28+$0x0] =	vst v2  }
0x31: {  	v2 =	vld.idx.msk [tilespmem:v3+s29+$0x0], $0xffff;
	_ =	sdelay $0x1  }
0x32: {  	s31 =	sadd.s32 $0x10, s31;
	v3 =	vor.u32 s30, v0  }
0x33: {  	v4 =	vmov s30;
	v3 =	vshrl.u32 v3, $0x1  }
0x34: {  	v4 =	vand.u32 $0xE00, v4;
	v3 =	vand.u32 $0xFF, v3  }
0x35: {  	v3 =	vor.u32 v3, v4  }
0x36: {  	v4 =	vshll.u32 v2, $0x1;
	v3 =	vor.u32 v1, v3  }
0x37: {  	v5 =	vand.u32 $0xFFFFC000, v2;
	v2 =	vshrl.u32 v2, $0xD;
	v4 =	vand.u32 $0x3FFE, v4  }
0x38: {  	v2 =	vand.u32 $0x1, v2;
	v4 =	vor.u32 v5, v4  }
0x39: {  	s28 =	sadd.s32 $0x10, s28;
	v2 =	vor.u32 v2, v4  }
0x3a: {  	[tilespmem:s28+$0x0] =	vst v2  }
0x3b: {  	v2 =	vld.idx.msk [tilespmem:v3+s29+$0x0], $0xffff;
	_ =	sdelay $0x3  }
0x3c: {  	p2 =	por $0x1, $0x1  }
.Ltmp1:
0x3d: {  	v3 =	vshll.u32 v2, $0x1;
	(pc) =	sbr.rel @!p2 .LBB2_4-.Ltmp1, $4  }
0x3e: {  	v4 =	vand.u32 $0xFFFFC000, v2;
	v2 =	vshrl.u32 v2, $0xD;
	v3 =	vand.u32 $0x3FFE, v3  }
0x3f: {  	v2 =	vand.u32 $0x1, v2;
	v3 =	vor.u32 v4, v3  }
0x40: {  	p0 =	por $0x0, $0x0;
	s30 =	sadd.s32 $0x10, s28;
	v2 =	vor.u32 v2, v3  }
0x41: {  	p1 =	por $0x0, $0x0;
	s28 =	simm.s32 $0x1E00;
	v3 =	vor.u32 s29, v0;
	[tilespmem:s30+$0x0] =	vst v2;
	s30 =	simm.s32 $0x10  }
0x42: {  	v2 =	vmov s29;
	v3 =	vshrl.u32 v3, $0x1  }
0x43: {  	v2 =	vand.u32 $0xE00, v2;
	v3 =	vand.u32 $0xFF, v3  }
0x44: {  	v2 =	vor.u32 v3, v2  }
0x45: {  	p2 =	por $0x1, $0x1;
	v2 =	vor.u32 v1, v2  }
.Ltmp2:
0x46: {  	_ = 	snop;
	(pc) =	sbr.rel @!p2 .LBB2_6-.Ltmp2, $2  }
0x47: {  	_ =	sdelay $0x2  }
0x48: {  	s29 =	simm.s32 $0x20;
	p0 =	por $0x1, $0x1;
	v3 =	vor.u32 s30, v0;
	v2 =	vld.idx.msk [tilespmem:v2+s18+$0x0], $0xffff  }
0x49: {  	_ = 	snop  }
0x4a: {  	v4 =	vmov s30;
	v3 =	vshrl.u32 v3, $0x1  }
0x4b: {  	v4 =	vand.u32 $0xE00, v4;
	v3 =	vand.u32 $0xFF, v3  }
0x4c: {  	v3 =	vor.u32 v3, v4  }
0x4d: {  	v3 =	vor.u32 v1, v3;
	v4 =	vshll.u32 v2, $0x1  }
0x4e: {  	p2 =	por $0x1, $0x1;
	v5 =	vand.u32 $0xFFFFC000, v2;
	v2 =	vshrl.u32 v2, $0xD;
	v4 =	vand.u32 $0x3FFE, v4  }
.Ltmp3:
0x4f: {  	v2 =	vand.u32 $0x1, v2;
	v4 =	vor.u32 v5, v4;
	(pc) =	sbr.rel @!p2 .LBB2_8-.Ltmp3, $4  }
0x50: {  	v2 =	vor.u32 v2, v4  }
0x51: {  	[tilespmem:s28+$0x0] =	vst v2  }
0x52: {  	v2 =	vld.idx.msk [tilespmem:v3+s18+$0x0], $0xffff  }
0x53: {  	s31 =	simm.s32 $0x30;
	p1 =	por $0x1, $0x1;
	s30 =	simm.s32 $0x1E00;
	v3 =	vor.u32 s29, v0  }
.LBB2_9:
0x54: {  	p2 =	sne.s32 s31, $0x9F0;
	v4 =	vmov s29;
	v3 =	vshrl.u32 v3, $0x1;
	s29 =	smov.u32 s31  }
0x55: {  	v4 =	vand.u32 $0xE00, v4;
	v3 =	vand.u32 $0xFF, v3  }
0x56: {  	v3 =	vor.u32 v3, v4  }
0x57: {  	v4 =	vshll.u32 v2, $0x1;
	v3 =	vor.u32 v1, v3  }
0x58: {  	v5 =	vand.u32 $0xFFFFC000, v2;
	v2 =	vshrl.u32 v2, $0xD;
	v4 =	vand.u32 $0x3FFE, v4  }
0x59: {  	v2 =	vand.u32 $0x1, v2;
	v4 =	vor.u32 v5, v4  }
.Ltmp4:
0x5a: {  	s30 =	sadd.s32 $0x10, s30;
	v2 =	vor.u32 v2, v4;
	(pc) =	sbr.rel @p2 .LBB2_9-.Ltmp4, $3  }
0x5b: {  	[tilespmem:s30+$0x0] =	vst v2  }
0x5c: {  	v2 =	vld.idx.msk [tilespmem:v3+s18+$0x0], $0xffff;
	_ =	sdelay $0x1  }
0x5d: {  	s31 =	sadd.s32 $0x10, s31;
	v3 =	vor.u32 s29, v0  }
.LBB2_10:
0x5e: {  	v4 =	vmov s29;
	v3 =	vshrl.u32 v3, $0x1  }
0x5f: {  	v4 =	vand.u32 $0xE00, v4;
	v3 =	vand.u32 $0xFF, v3  }
0x60: {  	v3 =	vor.u32 v3, v4  }
0x61: {  	v4 =	vshll.u32 @p0 v2, $0x1;
	v3 =	vor.u32 v1, v3  }
0x62: {  	v5 =	vand.u32 @p0 $0xFFFFC000, v2;
	v2 =	vshrl.u32 @p0 v2, $0xD;
	v4 =	vand.u32 @p0 $0x3FFE, v4  }
0x63: {  	s29 =	sadd.s32 @p1 $0x10, s30;
	s30 =	simm.s32 $0x1E00;
	v2 =	vand.u32 @p0 $0x1, v2;
	v4 =	vor.u32 @p0 v5, v4  }
0x64: {  	s30 =	smov.u32 @p1 s29;
	v2 =	vor.u32 @p0 v2, v4  }
0x65: {  	[tilespmem:s30+$0x0] =	vst @p0 v2  }
0x66: {  	v2 =	vld.idx.msk [tilespmem:v3+s18+$0x0], $0xffff;
	_ =	sdelay $0x4  }
0x67: {  	v3 =	vshll.u32 v2, $0x1  }
0x68: {  	v63 =	vand.u32 $0xFFFFC000, v2;
	v2 =	vshrl.u32 v2, $0xD;
	v3 =	vand.u32 $0x3FFE, v3  }
0x69: {  	s29 =	sadd.s32 @p0 $0x10, s30;
	v2 =	vand.u32 $0x1, v2;
	v3 =	vor.u32 v63, v3  }
0x6a: {  	s28 =	smov.u32 @p0 s29;
	v2 =	vor.u32 v2, v3  }
0x6b: {  	[tilespmem:s28+$0x0] =	vst v2  }
0x6c: {  	[tilespmem:s21], [sflag:$0x1] =	stream.indirect.gather [hbm4b:s3+s19], $0x40, s20, s19, $0xb8;
	[tilespmem:$0x12800] =	vst v63  }
0x6d: {  	_ =	swait.ge [sflag:s22], $0x8000  }
0x6e: {  	[sflag:s22] =	ssyncset.done $0x0  }
0x6f: {  	s29 =	simm.s32 $0x1600;
	[sflag:s22] =	ssyncadd.s32 $0xFFFF8000  }
0x70: {  	[tilespmem:s24], [sflag:$0x2] =	stream.indirect.gather [hbm4b:s3+s19], $0x40, s29, s19, $0xb8;
	[tilespmem:$0x12800] =	vst v63  }
0x71: {  	_ = 	snop  }
0x72: {  	[hbm4b:s9+s2] =	stream.linear.scatter [tilespmem:s21], [sflag:$0x3], $0x8000, $0x38;
	[tilespmem:$0x12800] =	vst v63  }
0x73: {  	_ =	swait.ge [sflag:s17], $0x8000  }
0x74: {  	[sflag:s17] =	ssyncset.done $0x0  }
0x75: {  	[sflag:s17] =	ssyncadd.s32 $0xFFFF8000  }
0x76: {  	_ =	swait.ge [sflag:s25], $0x8000  }
0x77: {  	[sflag:s25] =	ssyncset.done $0x0  }
0x78: {  	s30 =	simm.s32 $0x1800;
	[sflag:s25] =	ssyncadd.s32 $0xFFFF8000  }
0x79: {  	[tilespmem:s21], [sflag:$0x1] =	stream.indirect.gather [hbm4b:s3+s19], $0x40, s30, s19, $0xb8;
	[tilespmem:$0x12800] =	vst v63  }
0x7a: {  	_ = 	snop  }
0x7b: {  	[hbm4b:s10+s2] =	stream.linear.scatter [tilespmem:s24], [sflag:$0x3], $0x8000, $0x38;
	[tilespmem:$0x12800] =	vst v63  }
0x7c: {  	_ =	swait.ge [sflag:s17], $0x8000  }
0x7d: {  	[sflag:s17] =	ssyncset.done $0x0  }
0x7e: {  	[sflag:s17] =	ssyncadd.s32 $0xFFFF8000  }
0x7f: {  	_ =	swait.ge [sflag:s22], $0x8000  }
0x80: {  	[sflag:s22] =	ssyncset.done $0x0  }
0x81: {  	s31 =	simm.s32 $0x1A00;
	[sflag:s22] =	ssyncadd.s32 $0xFFFF8000  }
0x82: {  	[tilespmem:s24], [sflag:$0x2] =	stream.indirect.gather [hbm4b:s3+s19], $0x40, s31, s19, $0xb8;
	[tilespmem:$0x12800] =	vst v63  }
0x83: {  	_ = 	snop  }
0x84: {  	[hbm4b:s11+s2] =	stream.linear.scatter [tilespmem:s21], [sflag:$0x3], $0x8000, $0x38;
	[tilespmem:$0x12800] =	vst v63  }
0x85: {  	_ =	swait.ge [sflag:s17], $0x8000  }
0x86: {  	[sflag:s17] =	ssyncset.done $0x0  }
0x87: {  	[sflag:s17] =	ssyncadd.s32 $0xFFFF8000  }
0x88: {  	_ =	swait.ge [sflag:s25], $0x8000  }
0x89: {  	[sflag:s25] =	ssyncset.done $0x0  }
0x8a: {  	s29 =	simm.s32 $0x1C00;
	[sflag:s25] =	ssyncadd.s32 $0xFFFF8000  }
0x8b: {  	[tilespmem:s21], [sflag:$0x1] =	stream.indirect.gather [hbm4b:s3+s19], $0x40, s29, s19, $0xb8;
	[tilespmem:$0x12800] =	vst v63  }
0x8c: {  	_ = 	snop  }
0x8d: {  	[hbm4b:s12+s2] =	stream.linear.scatter [tilespmem:s24], [sflag:$0x3], $0x8000, $0x38;
	[tilespmem:$0x12800] =	vst v63  }
0x8e: {  	_ =	swait.ge [sflag:s17], $0x8000  }
0x8f: {  	[sflag:s17] =	ssyncset.done $0x0  }
0x90: {  	[sflag:s17] =	ssyncadd.s32 $0xFFFF8000  }
0x91: {  	_ =	swait.ge [sflag:s22], $0x8000  }
0x92: {  	[sflag:s22] =	ssyncset.done $0x0  }
0x93: {  	[sflag:s22] =	ssyncadd.s32 $0xFFFF8000  }
0x94: {  	[hbm4b:s6+s2] =	stream.linear.scatter [tilespmem:s21], [sflag:$0x3], $0x8000, $0x38;
	[tilespmem:$0x12800] =	vst v63  }
0x95: {  	_ =	swait.ge [sflag:s17], $0x8000  }
0x96: {  	[sflag:s17] =	ssyncset.done $0x0  }
0x97: {  	s30 =	simm.s32 $0x1E00;
	[sflag:s17] =	ssyncadd.s32 $0xFFFF8000  }
0x98: {  	[tilespmem:s21], [sflag:$0x1] =	stream.indirect.gather [hbm4b:s3+s19], $0x40, s30, s19, $0xb8;
	[tilespmem:$0x12800] =	vst v63  }
0x99: {  	_ =	swait.ge [sflag:s22], $0x8000  }
0x9a: {  	[sflag:s22] =	ssyncset.done $0x0  }
0x9b: {  	s31 =	simm.s32 $0x2000;
	[sflag:s22] =	ssyncadd.s32 $0xFFFF8000  }
0x9c: {  	[tilespmem:s24], [sflag:$0x2] =	stream.indirect.gather [hbm4b:s3+s19], $0x40, s31, s19, $0xb8;
	[tilespmem:$0x12800] =	vst v63  }
0x9d: {  	_ = 	snop  }
0x9e: {  	[hbm4b:s13+s2] =	stream.linear.scatter [tilespmem:s21], [sflag:$0x3], $0x8000, $0x38;
	[tilespmem:$0x12800] =	vst v63  }
0x9f: {  	_ =	swait.ge [sflag:s17], $0x8000  }
0xa0: {  	[sflag:s17] =	ssyncset.done $0x0  }
0xa1: {  	[sflag:s17] =	ssyncadd.s32 $0xFFFF8000  }
0xa2: {  	_ =	swait.ge [sflag:s25], $0x8000  }
0xa3: {  	[sflag:s25] =	ssyncset.done $0x0  }
0xa4: {  	[sflag:s25] =	ssyncadd.s32 $0xFFFF8000  }
0xa5: {  	[tilespmem:s21], [sflag:$0x1] =	stream.indirect.gather [hbm4b:s3+s19], $0x40, s0, s19, $0xb8;
	[tilespmem:$0x12800] =	vst v63  }
0xa6: {  	_ = 	snop  }
0xa7: {  	[hbm4b:s14+s2] =	stream.linear.scatter [tilespmem:s24], [sflag:$0x3], $0x8000, $0x38;
	[tilespmem:$0x12800] =	vst v63  }
0xa8: {  	_ =	swait.ge [sflag:s17], $0x8000  }
0xa9: {  	[sflag:s17] =	ssyncset.done $0x0  }
0xaa: {  	[sflag:s17] =	ssyncadd.s32 $0xFFFF8000  }
0xab: {  	_ =	swait.ge [sflag:s22], $0x8000  }
0xac: {  	[sflag:s22] =	ssyncset.done $0x0  }
0xad: {  	[sflag:s22] =	ssyncadd.s32 $0xFFFF8000  }
0xae: {  	[tilespmem:s24], [sflag:$0x2] =	stream.indirect.gather [hbm4b:s3+s19], $0x40, s1, s19, $0xb8;
	[tilespmem:$0x12800] =	vst v63  }
0xaf: {  	_ = 	snop  }
0xb0: {  	[hbm4b:s15+s2] =	stream.linear.scatter [tilespmem:s21], [sflag:$0x3], $0x8000, $0x38;
	[tilespmem:$0x12800] =	vst v63  }
0xb1: {  	_ =	swait.ge [sflag:s17], $0x8000  }
0xb2: {  	[sflag:s17] =	ssyncset.done $0x0  }
0xb3: {  	[sflag:s17] =	ssyncadd.s32 $0xFFFF8000  }
0xb4: {  	_ =	swait.ge [sflag:s25], $0x8000  }
0xb5: {  	[sflag:s25] =	ssyncset.done $0x0  }
0xb6: {  	[sflag:s25] =	ssyncadd.s32 $0xFFFF8000  }
0xb7: {  	[tilespmem:s21], [sflag:$0x1] =	stream.indirect.gather [hbm4b:s3+s19], $0x40, s23, s19, $0xb8;
	[tilespmem:$0x12800] =	vst v63  }
0xb8: {  	_ = 	snop  }
0xb9: {  	[hbm4b:s16+s2] =	stream.linear.scatter [tilespmem:s24], [sflag:$0x3], $0x8000, $0x38;
	[tilespmem:$0x12800] =	vst v63  }
0xba: {  	_ =	swait.ge [sflag:s17], $0x8000  }
0xbb: {  	[sflag:s17] =	ssyncset.done $0x0  }
0xbc: {  	[sflag:s17] =	ssyncadd.s32 $0xFFFF8000  }
0xbd: {  	_ =	swait.ge [sflag:s22], $0x8000  }
0xbe: {  	s26 =	sadd.s32 $0x1, s26;
	[sflag:s22] =	ssyncset.done $0x0  }
0xbf: {  	p0 =	sne.s32 s26, s8;
	[sflag:s22] =	ssyncadd.s32 $0xFFFF8000  }
0xc0: {  	[hbm4b:s7+s2] =	stream.linear.scatter [tilespmem:s21], [sflag:$0x3], $0x8000, $0x38;
	[tilespmem:$0x12800] =	vst v63  }
.Ltmp5:
0xc1: {  	_ = 	snop;
	(pc) =	sbr.rel @p0 .LBB2_1-.Ltmp5, $4  }
.Ltmp6:
0xc2: {  	_ = 	snop;
	(pc) =	sbr.rel @!p0 .LBB2_11-.Ltmp6, $4  }
0xc3: {  	_ =	swait.ge [sflag:s17], $0x8000  }
0xc4: {  	[sflag:s17] =	ssyncset.done $0x0  }
0xc5: {  	[sflag:s17] =	ssyncadd.s32 $0xFFFF8000  }
0xc6: {  	_ = 	snop  }
.LBB2_4:
.Ltmp7:
0xc7: {  	(pc) =	sbr.rel .LBB2_10-.Ltmp7, $2  }
0xc8: {  	_ =	sdelay $0x2  }
0xc9: {  	s30 =	simm.s32 $0x1E00  }
.LBB2_6:
.Ltmp8:
0xca: {  	(pc) =	sbr.rel .LBB2_10-.Ltmp8, $2  }
0xcb: {  	_ =	sdelay $0x2  }
0xcc: {  	s29 =	simm.s32 $0x10;
	s30 =	simm.s32 $0x1E00  }
.LBB2_8:
.Ltmp9:
0xcd: {  	(pc) =	sbr.rel .LBB2_10-.Ltmp9, $2  }
0xce: {  	_ =	sdelay $0x2  }
0xcf: {  	s30 =	simm.s32 $0x1E00  }
.LBB2_11:
0xd0: {  	_ =	sfence.sel $0x180000  }
0xd1: {  	[bflag:$0x0] =	sbarrier.arrive $0xFFFF  }
0xd2: {  	_ =	strace $0x90000047  }
0xd3: {  	s0 =	stileid.u32;
	[bflag:$0x2] =	sbarrier.arrive $0xFFFF  }
0xd4: {  	p0 =	sne.s32 s0, $0x0;
	s0 =	rddreg [dreg:$0x4]  }
0xd5: {  	s0 =	sadd.s32 @!p0 $0x100000, s0  }
0xd6: {  	[sflag:s0] =	ssyncadd.tile.s32 @!p0 $0x1;
	_ =	shalt  }
.Lfunc_end2:
_tile_overlayer_lowered:
.L_overlay_start_2:
0xd7: {  	(tag) =	ssettag $0x2  }
0xd8: {  	s0 =	rddreg [dreg:$0x0];
	s2 =	stileid.u32  }
0xd9: {  	s1 =	rddreg [dreg:$0x1];
	p0 =	sne.s32 s2, $0x0  }
0xda: {  	s3 =	rddreg [dreg:$0x2];
	[bflag:$0x3] =	sbarrier.arrive $0xFFFF;
	s2 =	simm.s32 @!p0 $0x1C03  }
0xdb: {  	[timem:s3], [sflag:s2] =	dma.local @!p0 [hbm:s0], s1  }
0xdc: {  	s0 =	simm.s32 @!p0 $0x3  }
0xdd: {  	_ =	swait.ge @!p0 [sflag:s0], s1  }
0xde: {  	s1 =	ssub.s32 @!p0 $0x0, s1;
	[sflag:s0] =	ssyncset.done @!p0 $0x0  }
0xdf: {  	[sflag:s0] =	ssyncadd.s32 @!p0 s1  }
0xe0: {  	[bflag:$0x3] =	sbarrier.arrive $0xFFFF  }
0xe1: {  	_ =	shalt  }

</sc_bundles>
